<compile_context>
chip_gen: v7x
topology: tpu7x:2x2x1
jax: 0.10.2.dev20260603
libtpu: 0.0.44.dev20260713+nightly
codegen_flags: <defaults>
</compile_context>

<pallas_src>
import functools

import jax
import jax.numpy as jnp
from jax import lax
from jax.experimental import pallas as pl
from jax.experimental.pallas import tpu as pltpu
from jax.experimental.pallas import tpu_sc as plsc

N = 10000
E = 320000
D = 128
NCLS = 40
CP = 48
NC = 2
NS = 16
NW = NC * NS
EPW = E // NW
CHUNK = 128
NCH = (EPW + CHUNK - 1) // CHUNK
EPW_PAD = NCH * CHUNK
DH = D // NC
EPS = E // NS
NCH1 = (EPS + CHUNK - 1) // CHUNK
EPS_PAD = NCH1 * CHUNK
NPAD = N + 112
STRIPE = NPAD // NS
CW = 16

_MESH = dict(core_axis_name="c", subcore_axis_name="s")


def _sc_agg1(xstk, src2, dst1, zh, zc, onesc):
    @functools.partial(
        pl.kernel,
        mesh=plsc.VectorSubcoreMesh(**_MESH),
        compiler_params=pltpu.CompilerParams(use_tc_tiling_on_sc=False),
        out_type=(
            jax.ShapeDtypeStruct((NC, NPAD, DH), jnp.float32),
            jax.ShapeDtypeStruct((NPAD, CW), jnp.float32),
        ),
        scratch_types=[
            pltpu.VMEM((NCH1, CHUNK), jnp.int32),
            pltpu.VMEM((NCH1, CHUNK), jnp.int32),
            pltpu.VMEM((CHUNK, DH), jnp.float32),
            pltpu.VMEM((CHUNK, CW), jnp.float32),
            pltpu.VMEM_SHARED((NPAD, DH), jnp.float32),
            pltpu.VMEM_SHARED((NPAD, CW), jnp.float32),
            pltpu.SemaphoreType.DMA,
        ],
    )
    def k(x_hbm, src_hbm, dst_hbm, zh_hbm, zc_hbm, ones_hbm,
          sums_hbm, cnts_hbm,
          srcv, dstv, rows, onesv, acc, cacc, sem):
        cid = lax.axis_index("c")
        sid = lax.axis_index("s")
        base = sid * STRIPE
        pltpu.sync_copy(zh_hbm, acc.at[pl.ds(base, STRIPE)])
        pltpu.sync_copy(zc_hbm, cacc.at[pl.ds(base, STRIPE)])
        pltpu.sync_copy(src_hbm.at[cid, sid], srcv)
        pltpu.sync_copy(dst_hbm.at[sid], dstv)
        pltpu.sync_copy(ones_hbm, onesv)
        plsc.subcore_barrier()

        def body(j, carry):
            pltpu.async_copy(x_hbm.at[srcv.at[j]], rows, sem).wait()
            pltpu.sync_copy(rows, acc.at[dstv.at[j]], add=True)
            return carry

        lax.fori_loop(0, NCH1, body, 0)

        @pl.when(cid == 0)
        def _():
            def cbody(j, carry):
                pltpu.sync_copy(onesv, cacc.at[dstv.at[j]], add=True)
                return carry
            lax.fori_loop(0, NCH1, cbody, 0)

        plsc.subcore_barrier()
        pltpu.sync_copy(acc.at[pl.ds(base, STRIPE)],
                        sums_hbm.at[cid, pl.ds(base, STRIPE)])

        @pl.when(cid == 0)
        def _():
            pltpu.sync_copy(cacc.at[pl.ds(base, STRIPE)],
                            cnts_hbm.at[pl.ds(base, STRIPE)])

    return k(xstk, src2, dst1, zh, zc, onesc)


def _sc_agg2(p2, srcw, dstw, zcp):
    @functools.partial(
        pl.kernel,
        mesh=plsc.VectorSubcoreMesh(**_MESH),
        compiler_params=pltpu.CompilerParams(use_tc_tiling_on_sc=False),
        out_type=jax.ShapeDtypeStruct((NC, NPAD, CP), jnp.float32),
        scratch_types=[
            pltpu.VMEM((NCH, CHUNK), jnp.int32),
            pltpu.VMEM((NCH, CHUNK), jnp.int32),
            pltpu.VMEM((CHUNK, CP), jnp.float32),
            pltpu.VMEM_SHARED((NPAD, CP), jnp.float32),
            pltpu.SemaphoreType.DMA,
        ],
    )
    def k(p2_hbm, src_hbm, dst_hbm, zcp_hbm,
          sums_hbm,
          srcv, dstv, rows, acc, sem):
        cid = lax.axis_index("c")
        sid = lax.axis_index("s")
        wid = sid * NC + cid
        base = sid * STRIPE
        pltpu.sync_copy(zcp_hbm, acc.at[pl.ds(base, STRIPE)])
        pltpu.sync_copy(src_hbm.at[wid], srcv)
        pltpu.sync_copy(dst_hbm.at[wid], dstv)
        plsc.subcore_barrier()

        def body(j, carry):
            pltpu.async_copy(p2_hbm.at[srcv.at[j]], rows, sem).wait()
            pltpu.sync_copy(rows, acc.at[dstv.at[j]], add=True)
            return carry

        lax.fori_loop(0, NCH, body, 0)
        plsc.subcore_barrier()
        pltpu.sync_copy(acc.at[pl.ds(base, STRIPE)],
                        sums_hbm.at[cid, pl.ds(base, STRIPE)])

    return k(p2, srcw, dstw, zcp)


_R = 400


def _tc_mid(x, sums1, cnts, Ws1, Wn1, b1r, Ws2p, Wn2p, b2p):
    def body(x_ref, s_ref, c_ref, ws1_ref, wn1_ref, b1_ref,
             ws2_ref, wn2_ref, b2_ref, p2_ref, s2_ref):
        s = jnp.concatenate([s_ref[0], s_ref[1]], axis=1)
        c = c_ref[:, 0:1]
        mean = s / jnp.maximum(c, 1.0)
        h = jnp.dot(x_ref[...], ws1_ref[...], preferred_element_type=jnp.float32)
        h = h + jnp.dot(mean, wn1_ref[...], preferred_element_type=jnp.float32)
        h = jnp.maximum(h + b1_ref[...], 0.0)
        p2_ref[...] = jnp.dot(h, wn2_ref[...], preferred_element_type=jnp.float32)
        s2_ref[...] = jnp.dot(h, ws2_ref[...],
                              preferred_element_type=jnp.float32) + b2_ref[...]

    return pl.pallas_call(
        body,
        grid=(N // _R,),
        in_specs=[
            pl.BlockSpec((_R, D), lambda i: (i, 0)),
            pl.BlockSpec((NC, _R, DH), lambda i: (0, i, 0)),
            pl.BlockSpec((_R, CW), lambda i: (i, 0)),
            pl.BlockSpec((D, D), lambda i: (0, 0)),
            pl.BlockSpec((D, D), lambda i: (0, 0)),
            pl.BlockSpec((1, D), lambda i: (0, 0)),
            pl.BlockSpec((D, CP), lambda i: (0, 0)),
            pl.BlockSpec((D, CP), lambda i: (0, 0)),
            pl.BlockSpec((1, CP), lambda i: (0, 0)),
        ],
        out_specs=[
            pl.BlockSpec((_R, CP), lambda i: (i, 0)),
            pl.BlockSpec((_R, CP), lambda i: (i, 0)),
        ],
        out_shape=[
            jax.ShapeDtypeStruct((N, CP), jnp.float32),
            jax.ShapeDtypeStruct((N, CP), jnp.float32),
        ],
    )(x, sums1, cnts, Ws1, Wn1, b1r, Ws2p, Wn2p, b2p)


def _tc_out(s2, sums2, cnts):
    def body(s2_ref, s_ref, c_ref, o_ref):
        s = s_ref[0] + s_ref[1]
        c = c_ref[:, 0:1]
        o_ref[...] = (s2_ref[...] + s / jnp.maximum(c, 1.0))[:, :NCLS]

    return pl.pallas_call(
        body,
        grid=(N // _R,),
        in_specs=[
            pl.BlockSpec((_R, CP), lambda i: (i, 0)),
            pl.BlockSpec((NC, _R, CP), lambda i: (0, i, 0)),
            pl.BlockSpec((_R, CW), lambda i: (i, 0)),
        ],
        out_specs=pl.BlockSpec((_R, NCLS), lambda i: (i, 0)),
        out_shape=jax.ShapeDtypeStruct((N, NCLS), jnp.float32),
    )(s2, sums2, cnts)


def kernel(x, edge_index, W_self1, W_neigh1, b1, W_self2, W_neigh2, b2):
    src = edge_index[0]
    dst = edge_index[1]
    xstk = jnp.concatenate([x[:, :DH], x[:, DH:]], axis=0)
    srcp = jnp.pad(src.reshape(NS, EPS),
                   ((0, 0), (0, EPS_PAD - EPS))).reshape(NS, NCH1, CHUNK)
    src2 = jnp.stack([srcp, srcp + N])
    dst1 = jnp.pad(dst.reshape(NS, EPS), ((0, 0), (0, EPS_PAD - EPS)),
                   constant_values=N).reshape(NS, NCH1, CHUNK)
    srcw = jnp.pad(src.reshape(NW, EPW),
                   ((0, 0), (0, EPW_PAD - EPW))).reshape(NW, NCH, CHUNK)
    dstw = jnp.pad(dst.reshape(NW, EPW), ((0, 0), (0, EPW_PAD - EPW)),
                   constant_values=N).reshape(NW, NCH, CHUNK)
    zh = jnp.zeros((STRIPE, DH), jnp.float32)
    zc = jnp.zeros((STRIPE, CW), jnp.float32)
    zcp = jnp.zeros((STRIPE, CP), jnp.float32)
    onesc = jnp.zeros((CHUNK, CW), jnp.float32).at[:, 0].set(1.0)

    sums1, cnts = _sc_agg1(xstk, src2, dst1, zh, zc, onesc)

    b1r = b1.reshape(1, D)
    Ws2p = jnp.pad(W_self2, ((0, 0), (0, CP - NCLS)))
    Wn2p = jnp.pad(W_neigh2, ((0, 0), (0, CP - NCLS)))
    b2p = jnp.pad(b2, (0, CP - NCLS)).reshape(1, CP)
    p2, s2 = _tc_mid(x, sums1, cnts, W_self1, W_neigh1, b1r, Ws2p, Wn2p, b2p)

    sums2 = _sc_agg2(p2, srcw, dstw, zcp)
    return _tc_out(s2, sums2, cnts)

# --- scband reference (transcript-rebuilt; emitter-appended) ---
"""Pipeline reference for scband-graph-sampling-base-13185549598972 (READ-ONLY COPY).

The authoritative reference and input builder live on the scoring server;
editing this copy changes nothing except your own understanding.
"""

import jax, jax.numpy as jnp
import numpy as np

N_NODES = 10000
N_EDGES = 320000
D_FEAT = 128
D_HID = 128
N_CLASSES = 40


def setup_inputs(seed: int = 0) -> dict:
    key = jax.random.key(seed)
    k1, k2, k3, k4, k5, k6, k7, k8 = jax.random.split(key, 8)
    x = jax.random.normal(k1, (N_NODES, D_FEAT), dtype=jnp.float32)
    edge_index = jax.random.randint(k2, (2, N_EDGES), 0, N_NODES, dtype=jnp.int32)
    s1 = 1.0 / np.sqrt(D_FEAT)
    s2 = 1.0 / np.sqrt(D_HID)
    W_self1 = jax.random.uniform(k3, (D_FEAT, D_HID), dtype=jnp.float32, minval=-s1, maxval=s1)
    W_neigh1 = jax.random.uniform(k4, (D_FEAT, D_HID), dtype=jnp.float32, minval=-s1, maxval=s1)
    b1 = jnp.zeros((D_HID,), dtype=jnp.float32)
    W_self2 = jax.random.uniform(k5, (D_HID, N_CLASSES), dtype=jnp.float32, minval=-s2, maxval=s2)
    W_neigh2 = jax.random.uniform(k6, (D_HID, N_CLASSES), dtype=jnp.float32, minval=-s2, maxval=s2)
    b2 = jnp.zeros((N_CLASSES,), dtype=jnp.float32)
    return {
        'x': x,
        'edge_index': edge_index,
        'W_self1': W_self1,
        'W_neigh1': W_neigh1,
        'b1': b1,
        'W_self2': W_self2,
        'W_neigh2': W_neigh2,
        'b2': b2,
    }


def _sage_layer(h, src, dst, W_self, W_neigh, b):
    # SAGEConv with mean aggregation, as used by the sampled convs in inference_gpu:
    # gather source features, scatter-mean into destination nodes, linear combine.
    msgs = h[src]  # gather: [E, d]
    sums = jax.ops.segment_sum(msgs, dst, num_segments=N_NODES)
    cnt = jax.ops.segment_sum(jnp.ones((msgs.shape[0], 1), dtype=h.dtype), dst, num_segments=N_NODES)
    mean = sums / jnp.maximum(cnt, 1.0)
    return h @ W_self + mean @ W_neigh + b


def reference(x, edge_index, W_self1, W_neigh1, b1, W_self2, W_neigh2, b2):
    # Full-graph layer-wise inference (equivalent to inference_gpu over all batches):
    # layer i: x_all = conv_i(x_all, edge_index); relu on all but last layer.
    src = edge_index[0]
    dst = edge_index[1]
    h = _sage_layer(x, src, dst, W_self1, W_neigh1, b1)
    h = jax.nn.relu(h)
    out = _sage_layer(h, src, dst, W_self2, W_neigh2, b2)
    return out

if __name__ == "__main__":
    import jax
    _d = setup_inputs()
    print(jax.jit(kernel)(*tuple(_d.values())))

</pallas_src>

<mosaic_0001>
#map = affine_map<(d0, d1) -> (0, 0)>
#map1 = affine_map<(d0, d1) -> (0, 0, 0, 0)>
#map2 = affine_map<(d0, d1) -> (0, 0, 0)>
module attributes {stable_mosaic.version = 14 : i64} {
  func.func @k(%arg0: i32, %arg1: i32, %arg2: memref<20000x64xf32, #tpu.memory_space<hbm>>, %arg3: memref<2x16x157x128xi32, #tpu.memory_space<hbm>>, %arg4: memref<16x157x128xi32, #tpu.memory_space<hbm>>, %arg5: memref<632x64xf32, #tpu.memory_space<hbm>>, %arg6: memref<632x16xf32, #tpu.memory_space<hbm>>, %arg7: memref<128x16xf32, #tpu.memory_space<hbm>>, %arg8: memref<2x10112x64xf32, #tpu.memory_space<hbm>>, %arg9: memref<10112x16xf32, #tpu.memory_space<hbm>>, %arg10: memref<157x128xi32, #tpu.memory_space<vmem>>, %arg11: memref<157x128xi32, #tpu.memory_space<vmem>>, %arg12: memref<128x64xf32, #tpu.memory_space<vmem>>, %arg13: memref<128x16xf32, #tpu.memory_space<vmem>>, %arg14: memref<10112x64xf32, #tpu.memory_space<vmem_shared>>, %arg15: memref<10112x16xf32, #tpu.memory_space<vmem_shared>>, %arg16: memref<!tpu.dma_semaphore, #tpu.memory_space<semaphore_mem>>) attributes {dimension_semantics = [#tpu.dimension_semantics<core_parallel>, #tpu.dimension_semantics<subcore_parallel>], iteration_bounds = array<i64: 2, 16>, scalar_prefetch = 0 : i64, scratch_operands = 7 : i64, tpu.core_type = #tpu.core_type<sc_vector_subcore>, window_params = [{transform_indices = #map}, {transform_indices = #map1}, {transform_indices = #map2}, {transform_indices = #map}, {transform_indices = #map}, {transform_indices = #map}, {transform_indices = #map2}, {transform_indices = #map}]} {
    %mul3A = arith.constant 632 : i32
    %mul3A_0 = arith.muli %arg1, %mul3A : i32
    "tpu.region"() ({
      %run_scoped3A = tpu.sem_alloc : memref<!tpu.dma_semaphore, #tpu.memory_space<semaphore_mem>>
      %dma_start3A = arith.constant 0 : i32
      %dma_start3A_14 = tpu.memref_slice %arg14[%mul3A_0, %dma_start3A] : memref<10112x64xf32, #tpu.memory_space<vmem_shared>> -> memref<632x64xf32, #tpu.memory_space<vmem_shared>>
      tpu.enqueue_dma source(%arg5 : memref<632x64xf32, #tpu.memory_space<hbm>>) target(%dma_start3A_14 : memref<632x64xf32, #tpu.memory_space<vmem_shared>>) target_semaphore(%run_scoped3A : memref<!tpu.dma_semaphore, #tpu.memory_space<semaphore_mem>>)
      %dma_wait3A = arith.constant 0 : i32
      %dma_wait3A_15 = tpu.memref_slice %arg14[%mul3A_0, %dma_wait3A] : memref<10112x64xf32, #tpu.memory_space<vmem_shared>> -> memref<632x64xf32, #tpu.memory_space<vmem_shared>>
      tpu.wait_dma2 semaphore(%run_scoped3A : memref<!tpu.dma_semaphore, #tpu.memory_space<semaphore_mem>>) src(%arg5 : memref<632x64xf32, #tpu.memory_space<hbm>>) dst(%dma_wait3A_15 : memref<632x64xf32, #tpu.memory_space<vmem_shared>>)
      tpu.yield
    }) : () -> ()
    "tpu.region"() ({
      %run_scoped3A = tpu.sem_alloc : memref<!tpu.dma_semaphore, #tpu.memory_space<semaphore_mem>>
      %dma_start3A = arith.constant 0 : i32
      %dma_start3A_14 = tpu.memref_slice %arg15[%mul3A_0, %dma_start3A] : memref<10112x16xf32, #tpu.memory_space<vmem_shared>> -> memref<632x16xf32, #tpu.memory_space<vmem_shared>>
      tpu.enqueue_dma source(%arg6 : memref<632x16xf32, #tpu.memory_space<hbm>>) target(%dma_start3A_14 : memref<632x16xf32, #tpu.memory_space<vmem_shared>>) target_semaphore(%run_scoped3A : memref<!tpu.dma_semaphore, #tpu.memory_space<semaphore_mem>>)
      %dma_wait3A = arith.constant 0 : i32
      %dma_wait3A_15 = tpu.memref_slice %arg15[%mul3A_0, %dma_wait3A] : memref<10112x16xf32, #tpu.memory_space<vmem_shared>> -> memref<632x16xf32, #tpu.memory_space<vmem_shared>>
      tpu.wait_dma2 semaphore(%run_scoped3A : memref<!tpu.dma_semaphore, #tpu.memory_space<semaphore_mem>>) src(%arg6 : memref<632x16xf32, #tpu.memory_space<hbm>>) dst(%dma_wait3A_15 : memref<632x16xf32, #tpu.memory_space<vmem_shared>>)
      tpu.yield
    }) : () -> ()
    "tpu.region"() ({
      %run_scoped3A = tpu.sem_alloc : memref<!tpu.dma_semaphore, #tpu.memory_space<semaphore_mem>>
      %dma_start3A = arith.constant 0 : i32
      %dma_start3A_14 = arith.constant 0 : i32
      %dma_start3A_15 = tpu.memref_slice %arg3[%arg0, %arg1, %dma_start3A, %dma_start3A_14] : memref<2x16x157x128xi32, #tpu.memory_space<hbm>> -> memref<1x1x157x128xi32, #tpu.memory_space<hbm>>
      %dma_start3A_16 = tpu.memref_squeeze %dma_start3A_15 : memref<1x1x157x128xi32, #tpu.memory_space<hbm>> -> memref<157x128xi32, #tpu.memory_space<hbm>>
      %dma_start3A_17 = arith.constant 0 : i32
      %dma_start3A_18 = arith.constant 0 : i32
      %dma_start3A_19 = tpu.memref_slice %arg3[%arg0, %arg1, %dma_start3A_17, %dma_start3A_18] : memref<2x16x157x128xi32, #tpu.memory_space<hbm>> -> memref<1x1x157x128xi32, #tpu.memory_space<hbm>>
      %dma_start3A_20 = tpu.memref_squeeze %dma_start3A_19 : memref<1x1x157x128xi32, #tpu.memory_space<hbm>> -> memref<157x128xi32, #tpu.memory_space<hbm>>
      tpu.enqueue_dma source(%dma_start3A_20 : memref<157x128xi32, #tpu.memory_space<hbm>>) target(%arg10 : memref<157x128xi32, #tpu.memory_space<vmem>>) target_semaphore(%run_scoped3A : memref<!tpu.dma_semaphore, #tpu.memory_space<semaphore_mem>>)
      %dma_wait3A = arith.constant 0 : i32
      %dma_wait3A_21 = arith.constant 0 : i32
      %dma_wait3A_22 = tpu.memref_slice %arg3[%arg0, %arg1, %dma_wait3A, %dma_wait3A_21] : memref<2x16x157x128xi32, #tpu.memory_space<hbm>> -> memref<1x1x157x128xi32, #tpu.memory_space<hbm>>
      %dma_wait3A_23 = tpu.memref_squeeze %dma_wait3A_22 : memref<1x1x157x128xi32, #tpu.memory_space<hbm>> -> memref<157x128xi32, #tpu.memory_space<hbm>>
      %dma_wait3A_24 = arith.constant 0 : i32
      %dma_wait3A_25 = arith.constant 0 : i32
      %dma_wait3A_26 = tpu.memref_slice %arg3[%arg0, %arg1, %dma_wait3A_24, %dma_wait3A_25] : memref<2x16x157x128xi32, #tpu.memory_space<hbm>> -> memref<1x1x157x128xi32, #tpu.memory_space<hbm>>
      %dma_wait3A_27 = tpu.memref_squeeze %dma_wait3A_26 : memref<1x1x157x128xi32, #tpu.memory_space<hbm>> -> memref<157x128xi32, #tpu.memory_space<hbm>>
      tpu.wait_dma2 semaphore(%run_scoped3A : memref<!tpu.dma_semaphore, #tpu.memory_space<semaphore_mem>>) src(%dma_wait3A_27 : memref<157x128xi32, #tpu.memory_space<hbm>>) dst(%arg10 : memref<157x128xi32, #tpu.memory_space<vmem>>)
      tpu.yield
    }) : () -> ()
    "tpu.region"() ({
      %run_scoped3A = tpu.sem_alloc : memref<!tpu.dma_semaphore, #tpu.memory_space<semaphore_mem>>
      %dma_start3A = arith.constant 0 : i32
      %dma_start3A_14 = arith.constant 0 : i32
      %dma_start3A_15 = tpu.memref_slice %arg4[%arg1, %dma_start3A, %dma_start3A_14] : memref<16x157x128xi32, #tpu.memory_space<hbm>> -> memref<1x157x128xi32, #tpu.memory_space<hbm>>
      %dma_start3A_16 = tpu.memref_squeeze %dma_start3A_15 : memref<1x157x128xi32, #tpu.memory_space<hbm>> -> memref<157x128xi32, #tpu.memory_space<hbm>>
      %dma_start3A_17 = arith.constant 0 : i32
      %dma_start3A_18 = arith.constant 0 : i32
      %dma_start3A_19 = tpu.memref_slice %arg4[%arg1, %dma_start3A_17, %dma_start3A_18] : memref<16x157x128xi32, #tpu.memory_space<hbm>> -> memref<1x157x128xi32, #tpu.memory_space<hbm>>
      %dma_start3A_20 = tpu.memref_squeeze %dma_start3A_19 : memref<1x157x128xi32, #tpu.memory_space<hbm>> -> memref<157x128xi32, #tpu.memory_space<hbm>>
      tpu.enqueue_dma source(%dma_start3A_20 : memref<157x128xi32, #tpu.memory_space<hbm>>) target(%arg11 : memref<157x128xi32, #tpu.memory_space<vmem>>) target_semaphore(%run_scoped3A : memref<!tpu.dma_semaphore, #tpu.memory_space<semaphore_mem>>)
      %dma_wait3A = arith.constant 0 : i32
      %dma_wait3A_21 = arith.constant 0 : i32
      %dma_wait3A_22 = tpu.memref_slice %arg4[%arg1, %dma_wait3A, %dma_wait3A_21] : memref<16x157x128xi32, #tpu.memory_space<hbm>> -> memref<1x157x128xi32, #tpu.memory_space<hbm>>
      %dma_wait3A_23 = tpu.memref_squeeze %dma_wait3A_22 : memref<1x157x128xi32, #tpu.memory_space<hbm>> -> memref<157x128xi32, #tpu.memory_space<hbm>>
      %dma_wait3A_24 = arith.constant 0 : i32
      %dma_wait3A_25 = arith.constant 0 : i32
      %dma_wait3A_26 = tpu.memref_slice %arg4[%arg1, %dma_wait3A_24, %dma_wait3A_25] : memref<16x157x128xi32, #tpu.memory_space<hbm>> -> memref<1x157x128xi32, #tpu.memory_space<hbm>>
      %dma_wait3A_27 = tpu.memref_squeeze %dma_wait3A_26 : memref<1x157x128xi32, #tpu.memory_space<hbm>> -> memref<157x128xi32, #tpu.memory_space<hbm>>
      tpu.wait_dma2 semaphore(%run_scoped3A : memref<!tpu.dma_semaphore, #tpu.memory_space<semaphore_mem>>) src(%dma_wait3A_27 : memref<157x128xi32, #tpu.memory_space<hbm>>) dst(%arg11 : memref<157x128xi32, #tpu.memory_space<vmem>>)
      tpu.yield
    }) : () -> ()
    "tpu.region"() ({
      %run_scoped3A = tpu.sem_alloc : memref<!tpu.dma_semaphore, #tpu.memory_space<semaphore_mem>>
      tpu.enqueue_dma source(%arg7 : memref<128x16xf32, #tpu.memory_space<hbm>>) target(%arg13 : memref<128x16xf32, #tpu.memory_space<vmem>>) target_semaphore(%run_scoped3A : memref<!tpu.dma_semaphore, #tpu.memory_space<semaphore_mem>>)
      tpu.wait_dma2 semaphore(%run_scoped3A : memref<!tpu.dma_semaphore, #tpu.memory_space<semaphore_mem>>) src(%arg7 : memref<128x16xf32, #tpu.memory_space<hbm>>) dst(%arg13 : memref<128x16xf32, #tpu.memory_space<vmem>>)
      tpu.yield
    }) : () -> ()
    %barrier3A = arith.constant 0 : index
    tpu.barrier barrier_id(%barrier3A)
    %scan3A = arith.constant 0 : i32
    %scan3A_1 = arith.constant 0 : i32
    %scan3A_2 = arith.constant 157 : i32
    %scan3A_3 = arith.addi %scan3A_1, %scan3A_2 : i32
    %scan3A_4 = arith.constant 1 : i32
    scf.for %scan3A_14 = %scan3A_1 to %scan3A_3 step %scan3A_4  : i32 {
      %dma_start3A = arith.constant 0 : i32
      %dma_start3A_15 = tpu.memref_slice %arg10[%scan3A_14, %dma_start3A] : memref<157x128xi32, #tpu.memory_space<vmem>> -> memref<1x128xi32, #tpu.memory_space<vmem>>
      %dma_start3A_16 = tpu.memref_squeeze %dma_start3A_15 : memref<1x128xi32, #tpu.memory_space<vmem>> -> memref<128xi32, #tpu.memory_space<vmem>>
      %dma_start3A_17 = arith.constant 0 : i32
      %dma_start3A_18 = arith.constant 0 : i32
      %dma_start3A_19 = tpu.memref_slice %arg2[%dma_start3A_17, %dma_start3A_18] : memref<20000x64xf32, #tpu.memory_space<hbm>> -> memref<20000x64xf32, #tpu.memory_space<hbm>>
      tpu.enqueue_indirect_dma source(%dma_start3A_19 : memref<20000x64xf32, #tpu.memory_space<hbm>>) target(%arg12 : memref<128x64xf32, #tpu.memory_space<vmem>>) offsets(%dma_start3A_16 : memref<128xi32, #tpu.memory_space<vmem>>) semaphore(%arg16 : memref<!tpu.dma_semaphore, #tpu.memory_space<semaphore_mem>>)
      %dma_wait3A = arith.constant 0 : i32
      %dma_wait3A_20 = tpu.memref_slice %arg10[%scan3A_14, %dma_wait3A] : memref<157x128xi32, #tpu.memory_space<vmem>> -> memref<1x128xi32, #tpu.memory_space<vmem>>
      %dma_wait3A_21 = tpu.memref_squeeze %dma_wait3A_20 : memref<1x128xi32, #tpu.memory_space<vmem>> -> memref<128xi32, #tpu.memory_space<vmem>>
      %dma_wait3A_22 = arith.constant 0 : i32
      %dma_wait3A_23 = arith.constant 0 : i32
      %dma_wait3A_24 = tpu.memref_slice %arg2[%dma_wait3A_22, %dma_wait3A_23] : memref<20000x64xf32, #tpu.memory_space<hbm>> -> memref<20000x64xf32, #tpu.memory_space<hbm>>
      tpu.wait_indirect_dma semaphore(%arg16 : memref<!tpu.dma_semaphore, #tpu.memory_space<semaphore_mem>>) src(%dma_wait3A_24 : memref<20000x64xf32, #tpu.memory_space<hbm>>) dst(%arg12 : memref<128x64xf32, #tpu.memory_space<vmem>>)
      "tpu.region"() ({
        %run_scoped3A = tpu.sem_alloc : memref<!tpu.dma_semaphore, #tpu.memory_space<semaphore_mem>>
        %dma_start3A_25 = arith.constant 0 : i32
        %dma_start3A_26 = tpu.memref_slice %arg11[%scan3A_14, %dma_start3A_25] : memref<157x128xi32, #tpu.memory_space<vmem>> -> memref<1x128xi32, #tpu.memory_space<vmem>>
        %dma_start3A_27 = tpu.memref_squeeze %dma_start3A_26 : memref<1x128xi32, #tpu.memory_space<vmem>> -> memref<128xi32, #tpu.memory_space<vmem>>
        %dma_start3A_28 = arith.constant 0 : i32
        %dma_start3A_29 = arith.constant 0 : i32
        %dma_start3A_30 = tpu.memref_slice %arg14[%dma_start3A_28, %dma_start3A_29] : memref<10112x64xf32, #tpu.memory_space<vmem_shared>> -> memref<10112x64xf32, #tpu.memory_space<vmem_shared>>
        tpu.enqueue_indirect_dma source(%arg12 : memref<128x64xf32, #tpu.memory_space<vmem>>) target(%dma_start3A_30 : memref<10112x64xf32, #tpu.memory_space<vmem_shared>>) offsets(%dma_start3A_27 : memref<128xi32, #tpu.memory_space<vmem>>) semaphore(%run_scoped3A : memref<!tpu.dma_semaphore, #tpu.memory_space<semaphore_mem>>) {add = true}
        %dma_wait3A_31 = arith.constant 0 : i32
        %dma_wait3A_32 = tpu.memref_slice %arg11[%scan3A_14, %dma_wait3A_31] : memref<157x128xi32, #tpu.memory_space<vmem>> -> memref<1x128xi32, #tpu.memory_space<vmem>>
        %dma_wait3A_33 = tpu.memref_squeeze %dma_wait3A_32 : memref<1x128xi32, #tpu.memory_space<vmem>> -> memref<128xi32, #tpu.memory_space<vmem>>
        %dma_wait3A_34 = arith.constant 0 : i32
        %dma_wait3A_35 = arith.constant 0 : i32
        %dma_wait3A_36 = tpu.memref_slice %arg14[%dma_wait3A_34, %dma_wait3A_35] : memref<10112x64xf32, #tpu.memory_space<vmem_shared>> -> memref<10112x64xf32, #tpu.memory_space<vmem_shared>>
        tpu.wait_indirect_dma semaphore(%run_scoped3A : memref<!tpu.dma_semaphore, #tpu.memory_space<semaphore_mem>>) src(%arg12 : memref<128x64xf32, #tpu.memory_space<vmem>>) dst(%dma_wait3A_36 : memref<10112x64xf32, #tpu.memory_space<vmem_shared>>)
        tpu.yield
      }) : () -> ()
    }
    %scan3A_5 = arith.constant 157 : i32
    %eq3A = arith.constant 0 : i32
    %eq3A_6 = arith.cmpi eq, %arg0, %eq3A : i32
    %convert_element_type3A = arith.extui %eq3A_6 : i1 to i32
    %cond3A = arith.constant 0 : i32
    %cond3A_7 = arith.cmpi ne, %convert_element_type3A, %cond3A : i32
    scf.if %cond3A_7 {
      %scan3A_14 = arith.constant 0 : i32
      %scan3A_15 = arith.constant 0 : i32
      %scan3A_16 = arith.constant 157 : i32
      %scan3A_17 = arith.addi %scan3A_15, %scan3A_16 : i32
      %scan3A_18 = arith.constant 1 : i32
      scf.for %scan3A_20 = %scan3A_15 to %scan3A_17 step %scan3A_18  : i32 {
        "tpu.region"() ({
          %run_scoped3A = tpu.sem_alloc : memref<!tpu.dma_semaphore, #tpu.memory_space<semaphore_mem>>
          %dma_start3A = arith.constant 0 : i32
          %dma_start3A_21 = tpu.memref_slice %arg11[%scan3A_20, %dma_start3A] : memref<157x128xi32, #tpu.memory_space<vmem>> -> memref<1x128xi32, #tpu.memory_space<vmem>>
          %dma_start3A_22 = tpu.memref_squeeze %dma_start3A_21 : memref<1x128xi32, #tpu.memory_space<vmem>> -> memref<128xi32, #tpu.memory_space<vmem>>
          %dma_start3A_23 = arith.constant 0 : i32
          %dma_start3A_24 = arith.constant 0 : i32
          %dma_start3A_25 = tpu.memref_slice %arg15[%dma_start3A_23, %dma_start3A_24] : memref<10112x16xf32, #tpu.memory_space<vmem_shared>> -> memref<10112x16xf32, #tpu.memory_space<vmem_shared>>
          tpu.enqueue_indirect_dma source(%arg13 : memref<128x16xf32, #tpu.memory_space<vmem>>) target(%dma_start3A_25 : memref<10112x16xf32, #tpu.memory_space<vmem_shared>>) offsets(%dma_start3A_22 : memref<128xi32, #tpu.memory_space<vmem>>) semaphore(%run_scoped3A : memref<!tpu.dma_semaphore, #tpu.memory_space<semaphore_mem>>) {add = true}
          %dma_wait3A = arith.constant 0 : i32
          %dma_wait3A_26 = tpu.memref_slice %arg11[%scan3A_20, %dma_wait3A] : memref<157x128xi32, #tpu.memory_space<vmem>> -> memref<1x128xi32, #tpu.memory_space<vmem>>
          %dma_wait3A_27 = tpu.memref_squeeze %dma_wait3A_26 : memref<1x128xi32, #tpu.memory_space<vmem>> -> memref<128xi32, #tpu.memory_space<vmem>>
          %dma_wait3A_28 = arith.constant 0 : i32
          %dma_wait3A_29 = arith.constant 0 : i32
          %dma_wait3A_30 = tpu.memref_slice %arg15[%dma_wait3A_28, %dma_wait3A_29] : memref<10112x16xf32, #tpu.memory_space<vmem_shared>> -> memref<10112x16xf32, #tpu.memory_space<vmem_shared>>
          tpu.wait_indirect_dma semaphore(%run_scoped3A : memref<!tpu.dma_semaphore, #tpu.memory_space<semaphore_mem>>) src(%arg13 : memref<128x16xf32, #tpu.memory_space<vmem>>) dst(%dma_wait3A_30 : memref<10112x16xf32, #tpu.memory_space<vmem_shared>>)
          tpu.yield
        }) : () -> ()
      }
      %scan3A_19 = arith.constant 157 : i32
    } else {
    }
    %barrier3A_8 = arith.constant 0 : index
    tpu.barrier barrier_id(%barrier3A_8)
    "tpu.region"() ({
      %run_scoped3A = tpu.sem_alloc : memref<!tpu.dma_semaphore, #tpu.memory_space<semaphore_mem>>
      %dma_start3A = arith.constant 0 : i32
      %dma_start3A_14 = tpu.memref_slice %arg8[%arg0, %mul3A_0, %dma_start3A] : memref<2x10112x64xf32, #tpu.memory_space<hbm>> -> memref<1x632x64xf32, #tpu.memory_space<hbm>>
      %dma_start3A_15 = tpu.memref_squeeze %dma_start3A_14 : memref<1x632x64xf32, #tpu.memory_space<hbm>> -> memref<632x64xf32, #tpu.memory_space<hbm>>
      %dma_start3A_16 = arith.constant 0 : i32
      %dma_start3A_17 = tpu.memref_slice %arg14[%mul3A_0, %dma_start3A_16] : memref<10112x64xf32, #tpu.memory_space<vmem_shared>> -> memref<632x64xf32, #tpu.memory_space<vmem_shared>>
      tpu.enqueue_dma source(%dma_start3A_17 : memref<632x64xf32, #tpu.memory_space<vmem_shared>>) target(%dma_start3A_15 : memref<632x64xf32, #tpu.memory_space<hbm>>) target_semaphore(%run_scoped3A : memref<!tpu.dma_semaphore, #tpu.memory_space<semaphore_mem>>)
      %dma_wait3A = arith.constant 0 : i32
      %dma_wait3A_18 = tpu.memref_slice %arg8[%arg0, %mul3A_0, %dma_wait3A] : memref<2x10112x64xf32, #tpu.memory_space<hbm>> -> memref<1x632x64xf32, #tpu.memory_space<hbm>>
      %dma_wait3A_19 = tpu.memref_squeeze %dma_wait3A_18 : memref<1x632x64xf32, #tpu.memory_space<hbm>> -> memref<632x64xf32, #tpu.memory_space<hbm>>
      %dma_wait3A_20 = arith.constant 0 : i32
      %dma_wait3A_21 = tpu.memref_slice %arg14[%mul3A_0, %dma_wait3A_20] : memref<10112x64xf32, #tpu.memory_space<vmem_shared>> -> memref<632x64xf32, #tpu.memory_space<vmem_shared>>
      tpu.wait_dma2 semaphore(%run_scoped3A : memref<!tpu.dma_semaphore, #tpu.memory_space<semaphore_mem>>) src(%dma_wait3A_21 : memref<632x64xf32, #tpu.memory_space<vmem_shared>>) dst(%dma_wait3A_19 : memref<632x64xf32, #tpu.memory_space<hbm>>)
      tpu.yield
    }) : () -> ()
    %eq3A_9 = arith.constant 0 : i32
    %eq3A_10 = arith.cmpi eq, %arg0, %eq3A_9 : i32
    %convert_element_type3A_11 = arith.extui %eq3A_10 : i1 to i32
    %cond3A_12 = arith.constant 0 : i32
    %cond3A_13 = arith.cmpi ne, %convert_element_type3A_11, %cond3A_12 : i32
    scf.if %cond3A_13 {
      "tpu.region"() ({
        %run_scoped3A = tpu.sem_alloc : memref<!tpu.dma_semaphore, #tpu.memory_space<semaphore_mem>>
        %dma_start3A = arith.constant 0 : i32
        %dma_start3A_14 = tpu.memref_slice %arg9[%mul3A_0, %dma_start3A] : memref<10112x16xf32, #tpu.memory_space<hbm>> -> memref<632x16xf32, #tpu.memory_space<hbm>>
        %dma_start3A_15 = arith.constant 0 : i32
        %dma_start3A_16 = tpu.memref_slice %arg15[%mul3A_0, %dma_start3A_15] : memref<10112x16xf32, #tpu.memory_space<vmem_shared>> -> memref<632x16xf32, #tpu.memory_space<vmem_shared>>
        tpu.enqueue_dma source(%dma_start3A_16 : memref<632x16xf32, #tpu.memory_space<vmem_shared>>) target(%dma_start3A_14 : memref<632x16xf32, #tpu.memory_space<hbm>>) target_semaphore(%run_scoped3A : memref<!tpu.dma_semaphore, #tpu.memory_space<semaphore_mem>>)
        %dma_wait3A = arith.constant 0 : i32
        %dma_wait3A_17 = tpu.memref_slice %arg9[%mul3A_0, %dma_wait3A] : memref<10112x16xf32, #tpu.memory_space<hbm>> -> memref<632x16xf32, #tpu.memory_space<hbm>>
        %dma_wait3A_18 = arith.constant 0 : i32
        %dma_wait3A_19 = tpu.memref_slice %arg15[%mul3A_0, %dma_wait3A_18] : memref<10112x16xf32, #tpu.memory_space<vmem_shared>> -> memref<632x16xf32, #tpu.memory_space<vmem_shared>>
        tpu.wait_dma2 semaphore(%run_scoped3A : memref<!tpu.dma_semaphore, #tpu.memory_space<semaphore_mem>>) src(%dma_wait3A_19 : memref<632x16xf32, #tpu.memory_space<vmem_shared>>) dst(%dma_wait3A_17 : memref<632x16xf32, #tpu.memory_space<hbm>>)
        tpu.yield
      }) : () -> ()
    } else {
    }
    return
  }
}

#map = affine_map<(d0, d1) -> (0, 0)>
#map1 = affine_map<(d0, d1) -> (0, 0, 0)>
module attributes {stable_mosaic.version = 14 : i64} {
  func.func @k(%arg0: i32, %arg1: i32, %arg2: memref<10000x48xf32, #tpu.memory_space<hbm>>, %arg3: memref<32x79x128xi32, #tpu.memory_space<hbm>>, %arg4: memref<32x79x128xi32, #tpu.memory_space<hbm>>, %arg5: memref<632x48xf32, #tpu.memory_space<hbm>>, %arg6: memref<2x10112x48xf32, #tpu.memory_space<hbm>>, %arg7: memref<79x128xi32, #tpu.memory_space<vmem>>, %arg8: memref<79x128xi32, #tpu.memory_space<vmem>>, %arg9: memref<128x48xf32, #tpu.memory_space<vmem>>, %arg10: memref<10112x48xf32, #tpu.memory_space<vmem_shared>>, %arg11: memref<!tpu.dma_semaphore, #tpu.memory_space<semaphore_mem>>) attributes {dimension_semantics = [#tpu.dimension_semantics<core_parallel>, #tpu.dimension_semantics<subcore_parallel>], iteration_bounds = array<i64: 2, 16>, scalar_prefetch = 0 : i64, scratch_operands = 5 : i64, tpu.core_type = #tpu.core_type<sc_vector_subcore>, window_params = [{transform_indices = #map}, {transform_indices = #map1}, {transform_indices = #map1}, {transform_indices = #map}, {transform_indices = #map1}]} {
    %mul3A = arith.constant 2 : i32
    %mul3A_0 = arith.muli %arg1, %mul3A : i32
    %add3A = arith.addi %mul3A_0, %arg0 : i32
    %mul3A_1 = arith.constant 632 : i32
    %mul3A_2 = arith.muli %arg1, %mul3A_1 : i32
    "tpu.region"() ({
      %run_scoped3A = tpu.sem_alloc : memref<!tpu.dma_semaphore, #tpu.memory_space<semaphore_mem>>
      %dma_start3A = arith.constant 0 : i32
      %dma_start3A_9 = tpu.memref_slice %arg10[%mul3A_2, %dma_start3A] : memref<10112x48xf32, #tpu.memory_space<vmem_shared>> -> memref<632x48xf32, #tpu.memory_space<vmem_shared>>
      tpu.enqueue_dma source(%arg5 : memref<632x48xf32, #tpu.memory_space<hbm>>) target(%dma_start3A_9 : memref<632x48xf32, #tpu.memory_space<vmem_shared>>) target_semaphore(%run_scoped3A : memref<!tpu.dma_semaphore, #tpu.memory_space<semaphore_mem>>)
      %dma_wait3A = arith.constant 0 : i32
      %dma_wait3A_10 = tpu.memref_slice %arg10[%mul3A_2, %dma_wait3A] : memref<10112x48xf32, #tpu.memory_space<vmem_shared>> -> memref<632x48xf32, #tpu.memory_space<vmem_shared>>
      tpu.wait_dma2 semaphore(%run_scoped3A : memref<!tpu.dma_semaphore, #tpu.memory_space<semaphore_mem>>) src(%arg5 : memref<632x48xf32, #tpu.memory_space<hbm>>) dst(%dma_wait3A_10 : memref<632x48xf32, #tpu.memory_space<vmem_shared>>)
      tpu.yield
    }) : () -> ()
    "tpu.region"() ({
      %run_scoped3A = tpu.sem_alloc : memref<!tpu.dma_semaphore, #tpu.memory_space<semaphore_mem>>
      %dma_start3A = arith.constant 0 : i32
      %dma_start3A_9 = arith.constant 0 : i32
      %dma_start3A_10 = tpu.memref_slice %arg3[%add3A, %dma_start3A, %dma_start3A_9] : memref<32x79x128xi32, #tpu.memory_space<hbm>> -> memref<1x79x128xi32, #tpu.memory_space<hbm>>
      %dma_start3A_11 = tpu.memref_squeeze %dma_start3A_10 : memref<1x79x128xi32, #tpu.memory_space<hbm>> -> memref<79x128xi32, #tpu.memory_space<hbm>>
      %dma_start3A_12 = arith.constant 0 : i32
      %dma_start3A_13 = arith.constant 0 : i32
      %dma_start3A_14 = tpu.memref_slice %arg3[%add3A, %dma_start3A_12, %dma_start3A_13] : memref<32x79x128xi32, #tpu.memory_space<hbm>> -> memref<1x79x128xi32, #tpu.memory_space<hbm>>
      %dma_start3A_15 = tpu.memref_squeeze %dma_start3A_14 : memref<1x79x128xi32, #tpu.memory_space<hbm>> -> memref<79x128xi32, #tpu.memory_space<hbm>>
      tpu.enqueue_dma source(%dma_start3A_15 : memref<79x128xi32, #tpu.memory_space<hbm>>) target(%arg7 : memref<79x128xi32, #tpu.memory_space<vmem>>) target_semaphore(%run_scoped3A : memref<!tpu.dma_semaphore, #tpu.memory_space<semaphore_mem>>)
      %dma_wait3A = arith.constant 0 : i32
      %dma_wait3A_16 = arith.constant 0 : i32
      %dma_wait3A_17 = tpu.memref_slice %arg3[%add3A, %dma_wait3A, %dma_wait3A_16] : memref<32x79x128xi32, #tpu.memory_space<hbm>> -> memref<1x79x128xi32, #tpu.memory_space<hbm>>
      %dma_wait3A_18 = tpu.memref_squeeze %dma_wait3A_17 : memref<1x79x128xi32, #tpu.memory_space<hbm>> -> memref<79x128xi32, #tpu.memory_space<hbm>>
      %dma_wait3A_19 = arith.constant 0 : i32
      %dma_wait3A_20 = arith.constant 0 : i32
      %dma_wait3A_21 = tpu.memref_slice %arg3[%add3A, %dma_wait3A_19, %dma_wait3A_20] : memref<32x79x128xi32, #tpu.memory_space<hbm>> -> memref<1x79x128xi32, #tpu.memory_space<hbm>>
      %dma_wait3A_22 = tpu.memref_squeeze %dma_wait3A_21 : memref<1x79x128xi32, #tpu.memory_space<hbm>> -> memref<79x128xi32, #tpu.memory_space<hbm>>
      tpu.wait_dma2 semaphore(%run_scoped3A : memref<!tpu.dma_semaphore, #tpu.memory_space<semaphore_mem>>) src(%dma_wait3A_22 : memref<79x128xi32, #tpu.memory_space<hbm>>) dst(%arg7 : memref<79x128xi32, #tpu.memory_space<vmem>>)
      tpu.yield
    }) : () -> ()
    "tpu.region"() ({
      %run_scoped3A = tpu.sem_alloc : memref<!tpu.dma_semaphore, #tpu.memory_space<semaphore_mem>>
      %dma_start3A = arith.constant 0 : i32
      %dma_start3A_9 = arith.constant 0 : i32
      %dma_start3A_10 = tpu.memref_slice %arg4[%add3A, %dma_start3A, %dma_start3A_9] : memref<32x79x128xi32, #tpu.memory_space<hbm>> -> memref<1x79x128xi32, #tpu.memory_space<hbm>>
      %dma_start3A_11 = tpu.memref_squeeze %dma_start3A_10 : memref<1x79x128xi32, #tpu.memory_space<hbm>> -> memref<79x128xi32, #tpu.memory_space<hbm>>
      %dma_start3A_12 = arith.constant 0 : i32
      %dma_start3A_13 = arith.constant 0 : i32
      %dma_start3A_14 = tpu.memref_slice %arg4[%add3A, %dma_start3A_12, %dma_start3A_13] : memref<32x79x128xi32, #tpu.memory_space<hbm>> -> memref<1x79x128xi32, #tpu.memory_space<hbm>>
      %dma_start3A_15 = tpu.memref_squeeze %dma_start3A_14 : memref<1x79x128xi32, #tpu.memory_space<hbm>> -> memref<79x128xi32, #tpu.memory_space<hbm>>
      tpu.enqueue_dma source(%dma_start3A_15 : memref<79x128xi32, #tpu.memory_space<hbm>>) target(%arg8 : memref<79x128xi32, #tpu.memory_space<vmem>>) target_semaphore(%run_scoped3A : memref<!tpu.dma_semaphore, #tpu.memory_space<semaphore_mem>>)
      %dma_wait3A = arith.constant 0 : i32
      %dma_wait3A_16 = arith.constant 0 : i32
      %dma_wait3A_17 = tpu.memref_slice %arg4[%add3A, %dma_wait3A, %dma_wait3A_16] : memref<32x79x128xi32, #tpu.memory_space<hbm>> -> memref<1x79x128xi32, #tpu.memory_space<hbm>>
      %dma_wait3A_18 = tpu.memref_squeeze %dma_wait3A_17 : memref<1x79x128xi32, #tpu.memory_space<hbm>> -> memref<79x128xi32, #tpu.memory_space<hbm>>
      %dma_wait3A_19 = arith.constant 0 : i32
      %dma_wait3A_20 = arith.constant 0 : i32
      %dma_wait3A_21 = tpu.memref_slice %arg4[%add3A, %dma_wait3A_19, %dma_wait3A_20] : memref<32x79x128xi32, #tpu.memory_space<hbm>> -> memref<1x79x128xi32, #tpu.memory_space<hbm>>
      %dma_wait3A_22 = tpu.memref_squeeze %dma_wait3A_21 : memref<1x79x128xi32, #tpu.memory_space<hbm>> -> memref<79x128xi32, #tpu.memory_space<hbm>>
      tpu.wait_dma2 semaphore(%run_scoped3A : memref<!tpu.dma_semaphore, #tpu.memory_space<semaphore_mem>>) src(%dma_wait3A_22 : memref<79x128xi32, #tpu.memory_space<hbm>>) dst(%arg8 : memref<79x128xi32, #tpu.memory_space<vmem>>)
      tpu.yield
    }) : () -> ()
    %barrier3A = arith.constant 0 : index
    tpu.barrier barrier_id(%barrier3A)
    %scan3A = arith.constant 0 : i32
    %scan3A_3 = arith.constant 0 : i32
    %scan3A_4 = arith.constant 79 : i32
    %scan3A_5 = arith.addi %scan3A_3, %scan3A_4 : i32
    %scan3A_6 = arith.constant 1 : i32
    scf.for %scan3A_9 = %scan3A_3 to %scan3A_5 step %scan3A_6  : i32 {
      %dma_start3A = arith.constant 0 : i32
      %dma_start3A_10 = tpu.memref_slice %arg7[%scan3A_9, %dma_start3A] : memref<79x128xi32, #tpu.memory_space<vmem>> -> memref<1x128xi32, #tpu.memory_space<vmem>>
      %dma_start3A_11 = tpu.memref_squeeze %dma_start3A_10 : memref<1x128xi32, #tpu.memory_space<vmem>> -> memref<128xi32, #tpu.memory_space<vmem>>
      %dma_start3A_12 = arith.constant 0 : i32
      %dma_start3A_13 = arith.constant 0 : i32
      %dma_start3A_14 = tpu.memref_slice %arg2[%dma_start3A_12, %dma_start3A_13] : memref<10000x48xf32, #tpu.memory_space<hbm>> -> memref<10000x48xf32, #tpu.memory_space<hbm>>
      tpu.enqueue_indirect_dma source(%dma_start3A_14 : memref<10000x48xf32, #tpu.memory_space<hbm>>) target(%arg9 : memref<128x48xf32, #tpu.memory_space<vmem>>) offsets(%dma_start3A_11 : memref<128xi32, #tpu.memory_space<vmem>>) semaphore(%arg11 : memref<!tpu.dma_semaphore, #tpu.memory_space<semaphore_mem>>)
      %dma_wait3A = arith.constant 0 : i32
      %dma_wait3A_15 = tpu.memref_slice %arg7[%scan3A_9, %dma_wait3A] : memref<79x128xi32, #tpu.memory_space<vmem>> -> memref<1x128xi32, #tpu.memory_space<vmem>>
      %dma_wait3A_16 = tpu.memref_squeeze %dma_wait3A_15 : memref<1x128xi32, #tpu.memory_space<vmem>> -> memref<128xi32, #tpu.memory_space<vmem>>
      %dma_wait3A_17 = arith.constant 0 : i32
      %dma_wait3A_18 = arith.constant 0 : i32
      %dma_wait3A_19 = tpu.memref_slice %arg2[%dma_wait3A_17, %dma_wait3A_18] : memref<10000x48xf32, #tpu.memory_space<hbm>> -> memref<10000x48xf32, #tpu.memory_space<hbm>>
      tpu.wait_indirect_dma semaphore(%arg11 : memref<!tpu.dma_semaphore, #tpu.memory_space<semaphore_mem>>) src(%dma_wait3A_19 : memref<10000x48xf32, #tpu.memory_space<hbm>>) dst(%arg9 : memref<128x48xf32, #tpu.memory_space<vmem>>)
      "tpu.region"() ({
        %run_scoped3A = tpu.sem_alloc : memref<!tpu.dma_semaphore, #tpu.memory_space<semaphore_mem>>
        %dma_start3A_20 = arith.constant 0 : i32
        %dma_start3A_21 = tpu.memref_slice %arg8[%scan3A_9, %dma_start3A_20] : memref<79x128xi32, #tpu.memory_space<vmem>> -> memref<1x128xi32, #tpu.memory_space<vmem>>
        %dma_start3A_22 = tpu.memref_squeeze %dma_start3A_21 : memref<1x128xi32, #tpu.memory_space<vmem>> -> memref<128xi32, #tpu.memory_space<vmem>>
        %dma_start3A_23 = arith.constant 0 : i32
        %dma_start3A_24 = arith.constant 0 : i32
        %dma_start3A_25 = tpu.memref_slice %arg10[%dma_start3A_23, %dma_start3A_24] : memref<10112x48xf32, #tpu.memory_space<vmem_shared>> -> memref<10112x48xf32, #tpu.memory_space<vmem_shared>>
        tpu.enqueue_indirect_dma source(%arg9 : memref<128x48xf32, #tpu.memory_space<vmem>>) target(%dma_start3A_25 : memref<10112x48xf32, #tpu.memory_space<vmem_shared>>) offsets(%dma_start3A_22 : memref<128xi32, #tpu.memory_space<vmem>>) semaphore(%run_scoped3A : memref<!tpu.dma_semaphore, #tpu.memory_space<semaphore_mem>>) {add = true}
        %dma_wait3A_26 = arith.constant 0 : i32
        %dma_wait3A_27 = tpu.memref_slice %arg8[%scan3A_9, %dma_wait3A_26] : memref<79x128xi32, #tpu.memory_space<vmem>> -> memref<1x128xi32, #tpu.memory_space<vmem>>
        %dma_wait3A_28 = tpu.memref_squeeze %dma_wait3A_27 : memref<1x128xi32, #tpu.memory_space<vmem>> -> memref<128xi32, #tpu.memory_space<vmem>>
        %dma_wait3A_29 = arith.constant 0 : i32
        %dma_wait3A_30 = arith.constant 0 : i32
        %dma_wait3A_31 = tpu.memref_slice %arg10[%dma_wait3A_29, %dma_wait3A_30] : memref<10112x48xf32, #tpu.memory_space<vmem_shared>> -> memref<10112x48xf32, #tpu.memory_space<vmem_shared>>
        tpu.wait_indirect_dma semaphore(%run_scoped3A : memref<!tpu.dma_semaphore, #tpu.memory_space<semaphore_mem>>) src(%arg9 : memref<128x48xf32, #tpu.memory_space<vmem>>) dst(%dma_wait3A_31 : memref<10112x48xf32, #tpu.memory_space<vmem_shared>>)
        tpu.yield
      }) : () -> ()
    }
    %scan3A_7 = arith.constant 79 : i32
    %barrier3A_8 = arith.constant 0 : index
    tpu.barrier barrier_id(%barrier3A_8)
    "tpu.region"() ({
      %run_scoped3A = tpu.sem_alloc : memref<!tpu.dma_semaphore, #tpu.memory_space<semaphore_mem>>
      %dma_start3A = arith.constant 0 : i32
      %dma_start3A_9 = tpu.memref_slice %arg6[%arg0, %mul3A_2, %dma_start3A] : memref<2x10112x48xf32, #tpu.memory_space<hbm>> -> memref<1x632x48xf32, #tpu.memory_space<hbm>>
      %dma_start3A_10 = tpu.memref_squeeze %dma_start3A_9 : memref<1x632x48xf32, #tpu.memory_space<hbm>> -> memref<632x48xf32, #tpu.memory_space<hbm>>
      %dma_start3A_11 = arith.constant 0 : i32
      %dma_start3A_12 = tpu.memref_slice %arg10[%mul3A_2, %dma_start3A_11] : memref<10112x48xf32, #tpu.memory_space<vmem_shared>> -> memref<632x48xf32, #tpu.memory_space<vmem_shared>>
      tpu.enqueue_dma source(%dma_start3A_12 : memref<632x48xf32, #tpu.memory_space<vmem_shared>>) target(%dma_start3A_10 : memref<632x48xf32, #tpu.memory_space<hbm>>) target_semaphore(%run_scoped3A : memref<!tpu.dma_semaphore, #tpu.memory_space<semaphore_mem>>)
      %dma_wait3A = arith.constant 0 : i32
      %dma_wait3A_13 = tpu.memref_slice %arg6[%arg0, %mul3A_2, %dma_wait3A] : memref<2x10112x48xf32, #tpu.memory_space<hbm>> -> memref<1x632x48xf32, #tpu.memory_space<hbm>>
      %dma_wait3A_14 = tpu.memref_squeeze %dma_wait3A_13 : memref<1x632x48xf32, #tpu.memory_space<hbm>> -> memref<632x48xf32, #tpu.memory_space<hbm>>
      %dma_wait3A_15 = arith.constant 0 : i32
      %dma_wait3A_16 = tpu.memref_slice %arg10[%mul3A_2, %dma_wait3A_15] : memref<10112x48xf32, #tpu.memory_space<vmem_shared>> -> memref<632x48xf32, #tpu.memory_space<vmem_shared>>
      tpu.wait_dma2 semaphore(%run_scoped3A : memref<!tpu.dma_semaphore, #tpu.memory_space<semaphore_mem>>) src(%dma_wait3A_16 : memref<632x48xf32, #tpu.memory_space<vmem_shared>>) dst(%dma_wait3A_14 : memref<632x48xf32, #tpu.memory_space<hbm>>)
      tpu.yield
    }) : () -> ()
    return
  }
}

module attributes {stable_mosaic.version = 14 : i64} {
  func.func @body(%arg0: i32, %arg1: memref<400x128xf32, #tpu.memory_space<vmem>>, %arg2: memref<2x400x64xf32, #tpu.memory_space<vmem>>, %arg3: memref<400x16xf32, #tpu.memory_space<vmem>>, %arg4: memref<128x128xf32, #tpu.memory_space<vmem>>, %arg5: memref<128x128xf32, #tpu.memory_space<vmem>>, %arg6: memref<1x128xf32, #tpu.memory_space<vmem>>, %arg7: memref<128x48xf32, #tpu.memory_space<vmem>>, %arg8: memref<128x48xf32, #tpu.memory_space<vmem>>, %arg9: memref<1x48xf32, #tpu.memory_space<vmem>>, %arg10: memref<400x48xf32, #tpu.memory_space<vmem>>, %arg11: memref<400x48xf32, #tpu.memory_space<vmem>>) attributes {dimension_semantics = [#tpu.dimension_semantics<arbitrary>], iteration_bounds = array<i64: 25>, scalar_prefetch = 0 : i64, scratch_operands = 0 : i64, tpu.core_type = #tpu.core_type<tc>, window_params = [{transform_indices = @transform_0, window_bounds = array<i64: 400, 128>}, {transform_indices = @transform_1, window_bounds = array<i64: 2, 400, 64>}, {transform_indices = @transform_2, window_bounds = array<i64: 400, 16>}, {pipeline_mode = #tpu.pipeline_mode<synchronous>, transform_indices = @transform_3, window_bounds = array<i64: 128, 128>}, {pipeline_mode = #tpu.pipeline_mode<synchronous>, transform_indices = @transform_4, window_bounds = array<i64: 128, 128>}, {pipeline_mode = #tpu.pipeline_mode<synchronous>, transform_indices = @transform_5, window_bounds = array<i64: 1, 128>}, {pipeline_mode = #tpu.pipeline_mode<synchronous>, transform_indices = @transform_6, window_bounds = array<i64: 128, 48>}, {pipeline_mode = #tpu.pipeline_mode<synchronous>, transform_indices = @transform_7, window_bounds = array<i64: 128, 48>}, {pipeline_mode = #tpu.pipeline_mode<synchronous>, transform_indices = @transform_8, window_bounds = array<i64: 1, 48>}, {transform_indices = @transform_9, window_bounds = array<i64: 400, 48>}, {transform_indices = @transform_10, window_bounds = array<i64: 400, 48>}]} {
    %get3A = arith.constant 0 : index
    %get3A_0 = arith.constant 0 : index
    %get3A_1 = arith.constant 0 : index
    %get3A_2 = vector.load %arg2[%get3A, %get3A_0, %get3A_1] : memref<2x400x64xf32, #tpu.memory_space<vmem>>, vector<1x400x64xf32>
    %get3A_3 = vector.shape_cast %get3A_2 : vector<1x400x64xf32> to vector<400x64xf32>
    %get3A_4 = arith.constant 1 : index
    %get3A_5 = arith.constant 0 : index
    %get3A_6 = arith.constant 0 : index
    %get3A_7 = vector.load %arg2[%get3A_4, %get3A_5, %get3A_6] : memref<2x400x64xf32, #tpu.memory_space<vmem>>, vector<1x400x64xf32>
    %get3A_8 = vector.shape_cast %get3A_7 : vector<1x400x64xf32> to vector<400x64xf32>
    %concatenate3A = tpu.concatenate %get3A_3, %get3A_8 in 1 : vector<400x64xf32>, vector<400x64xf32> -> vector<400x128xf32>
    %get3A_9 = arith.constant 0 : index
    %get3A_10 = arith.constant 0 : index
    %get3A_11 = vector.load %arg3[%get3A_9, %get3A_10] : memref<400x16xf32, #tpu.memory_space<vmem>>, vector<400x1xf32>
    %max3A = arith.constant 1.000000e+00 : f32
    %max3A_12 = vector.broadcast %max3A : f32 to vector<400x1xf32>
    %max3A_13 = arith.maximumf %get3A_11, %max3A_12 : vector<400x1xf32>
    %div3A = vector.broadcast %max3A_13 : vector<400x1xf32> to vector<400x128xf32>
    %div3A_14 = arith.divf %concatenate3A, %div3A : vector<400x128xf32>
    %get3A_15 = arith.constant 0 : index
    %get3A_16 = arith.constant 0 : index
    %get3A_17 = vector.load %arg1[%get3A_15, %get3A_16] : memref<400x128xf32, #tpu.memory_space<vmem>>, vector<400x128xf32>
    %get3A_18 = arith.constant 0 : index
    %get3A_19 = arith.constant 0 : index
    %get3A_20 = vector.load %arg4[%get3A_18, %get3A_19] : memref<128x128xf32, #tpu.memory_space<vmem>>, vector<128x128xf32>
    %dot_general3A = arith.constant dense<0.000000e+00> : vector<400x128xf32>
    %dot_general3A_21 = tpu.matmul %get3A_17, %get3A_20, %dot_general3A {dimension_numbers = #tpu.dot_dimension_numbers<[1], [0], [0], [1], [0, 0, 1, 1], [], []>, transpose_lhs_hint = false} : vector<400x128xf32>, vector<128x128xf32>, vector<400x128xf32> -> vector<400x128xf32>
    %get3A_22 = arith.constant 0 : index
    %get3A_23 = arith.constant 0 : index
    %get3A_24 = vector.load %arg5[%get3A_22, %get3A_23] : memref<128x128xf32, #tpu.memory_space<vmem>>, vector<128x128xf32>
    %dot_general3A_25 = arith.constant dense<0.000000e+00> : vector<400x128xf32>
    %dot_general3A_26 = tpu.matmul %div3A_14, %get3A_24, %dot_general3A_25 {dimension_numbers = #tpu.dot_dimension_numbers<[1], [0], [0], [1], [0, 0, 1, 1], [], []>, transpose_lhs_hint = false} : vector<400x128xf32>, vector<128x128xf32>, vector<400x128xf32> -> vector<400x128xf32>
    %add3A = arith.addf %dot_general3A_21, %dot_general3A_26 : vector<400x128xf32>
    %get3A_27 = arith.constant 0 : index
    %get3A_28 = arith.constant 0 : index
    %get3A_29 = vector.load %arg6[%get3A_27, %get3A_28] : memref<1x128xf32, #tpu.memory_space<vmem>>, vector<1x128xf32>
    %add3A_30 = vector.broadcast %get3A_29 : vector<1x128xf32> to vector<400x128xf32>
    %add3A_31 = arith.addf %add3A, %add3A_30 : vector<400x128xf32>
    %max3A_32 = arith.constant 0.000000e+00 : f32
    %max3A_33 = vector.broadcast %max3A_32 : f32 to vector<400x128xf32>
    %max3A_34 = arith.maximumf %add3A_31, %max3A_33 : vector<400x128xf32>
    %get3A_35 = arith.constant 0 : index
    %get3A_36 = arith.constant 0 : index
    %get3A_37 = vector.load %arg8[%get3A_35, %get3A_36] : memref<128x48xf32, #tpu.memory_space<vmem>>, vector<128x48xf32>
    %dot_general3A_38 = arith.constant dense<0.000000e+00> : vector<400x48xf32>
    %dot_general3A_39 = tpu.matmul %max3A_34, %get3A_37, %dot_general3A_38 {dimension_numbers = #tpu.dot_dimension_numbers<[1], [0], [0], [1], [0, 0, 1, 1], [], []>, transpose_lhs_hint = false} : vector<400x128xf32>, vector<128x48xf32>, vector<400x48xf32> -> vector<400x48xf32>
    %swap3A = arith.constant 0 : index
    %swap3A_40 = arith.constant 0 : index
    %swap3A_41 = vector.load %arg10[%swap3A, %swap3A_40] : memref<400x48xf32, #tpu.memory_space<vmem>>, vector<400x48xf32>
    tpu.vector_store %arg10[%swap3A, %swap3A_40], %dot_general3A_39 {strides = array<i32>} : memref<400x48xf32, #tpu.memory_space<vmem>>, vector<400x48xf32>,
    %get3A_42 = arith.constant 0 : index
    %get3A_43 = arith.constant 0 : index
    %get3A_44 = vector.load %arg7[%get3A_42, %get3A_43] : memref<128x48xf32, #tpu.memory_space<vmem>>, vector<128x48xf32>
    %dot_general3A_45 = arith.constant dense<0.000000e+00> : vector<400x48xf32>
    %dot_general3A_46 = tpu.matmul %max3A_34, %get3A_44, %dot_general3A_45 {dimension_numbers = #tpu.dot_dimension_numbers<[1], [0], [0], [1], [0, 0, 1, 1], [], []>, transpose_lhs_hint = false} : vector<400x128xf32>, vector<128x48xf32>, vector<400x48xf32> -> vector<400x48xf32>
    %get3A_47 = arith.constant 0 : index
    %get3A_48 = arith.constant 0 : index
    %get3A_49 = vector.load %arg9[%get3A_47, %get3A_48] : memref<1x48xf32, #tpu.memory_space<vmem>>, vector<1x48xf32>
    %add3A_50 = vector.broadcast %get3A_49 : vector<1x48xf32> to vector<400x48xf32>
    %add3A_51 = arith.addf %dot_general3A_46, %add3A_50 : vector<400x48xf32>
    %swap3A_52 = arith.constant 0 : index
    %swap3A_53 = arith.constant 0 : index
    %swap3A_54 = vector.load %arg11[%swap3A_52, %swap3A_53] : memref<400x48xf32, #tpu.memory_space<vmem>>, vector<400x48xf32>
    tpu.vector_store %arg11[%swap3A_52, %swap3A_53], %add3A_51 {strides = array<i32>} : memref<400x48xf32, #tpu.memory_space<vmem>>, vector<400x48xf32>,
    return
  }
  func.func @transform_0(%arg0: i32) -> (i32, i32) {
    %c0_i32 = arith.constant 0 : i32
    %c0_i32_0 = arith.constant 0 : i32
    return %arg0, %c0_i32 : i32, i32
  }
  func.func @transform_1(%arg0: i32) -> (i32, i32, i32) {
    %c0_i32 = arith.constant 0 : i32
    %c0_i32_0 = arith.constant 0 : i32
    %c0_i32_1 = arith.constant 0 : i32
    return %c0_i32, %arg0, %c0_i32_0 : i32, i32, i32
  }
  func.func @transform_2(%arg0: i32) -> (i32, i32) {
    %c0_i32 = arith.constant 0 : i32
    %c0_i32_0 = arith.constant 0 : i32
    return %arg0, %c0_i32 : i32, i32
  }
  func.func @transform_3(%arg0: i32) -> (i32, i32) {
    %c0_i32 = arith.constant 0 : i32
    %c0_i32_0 = arith.constant 0 : i32
    %c0_i32_1 = arith.constant 0 : i32
    return %c0_i32, %c0_i32_0 : i32, i32
  }
  func.func @transform_4(%arg0: i32) -> (i32, i32) {
    %c0_i32 = arith.constant 0 : i32
    %c0_i32_0 = arith.constant 0 : i32
    %c0_i32_1 = arith.constant 0 : i32
    return %c0_i32, %c0_i32_0 : i32, i32
  }
  func.func @transform_5(%arg0: i32) -> (i32, i32) {
    %c0_i32 = arith.constant 0 : i32
    %c0_i32_0 = arith.constant 0 : i32
    %c0_i32_1 = arith.constant 0 : i32
    return %c0_i32, %c0_i32_0 : i32, i32
  }
  func.func @transform_6(%arg0: i32) -> (i32, i32) {
    %c0_i32 = arith.constant 0 : i32
    %c0_i32_0 = arith.constant 0 : i32
    %c0_i32_1 = arith.constant 0 : i32
    return %c0_i32, %c0_i32_0 : i32, i32
  }
  func.func @transform_7(%arg0: i32) -> (i32, i32) {
    %c0_i32 = arith.constant 0 : i32
    %c0_i32_0 = arith.constant 0 : i32
    %c0_i32_1 = arith.constant 0 : i32
    return %c0_i32, %c0_i32_0 : i32, i32
  }
  func.func @transform_8(%arg0: i32) -> (i32, i32) {
    %c0_i32 = arith.constant 0 : i32
    %c0_i32_0 = arith.constant 0 : i32
    %c0_i32_1 = arith.constant 0 : i32
    return %c0_i32, %c0_i32_0 : i32, i32
  }
  func.func @transform_9(%arg0: i32) -> (i32, i32) {
    %c0_i32 = arith.constant 0 : i32
    %c0_i32_0 = arith.constant 0 : i32
    return %arg0, %c0_i32 : i32, i32
  }
  func.func @transform_10(%arg0: i32) -> (i32, i32) {
    %c0_i32 = arith.constant 0 : i32
    %c0_i32_0 = arith.constant 0 : i32
    return %arg0, %c0_i32 : i32, i32
  }
}

module attributes {stable_mosaic.version = 14 : i64} {
  func.func @body(%arg0: i32, %arg1: memref<400x48xf32, #tpu.memory_space<vmem>>, %arg2: memref<2x400x48xf32, #tpu.memory_space<vmem>>, %arg3: memref<400x16xf32, #tpu.memory_space<vmem>>, %arg4: memref<400x40xf32, #tpu.memory_space<vmem>>) attributes {dimension_semantics = [#tpu.dimension_semantics<arbitrary>], iteration_bounds = array<i64: 25>, scalar_prefetch = 0 : i64, scratch_operands = 0 : i64, tpu.core_type = #tpu.core_type<tc>, window_params = [{transform_indices = @transform_0, window_bounds = array<i64: 400, 48>}, {transform_indices = @transform_1, window_bounds = array<i64: 2, 400, 48>}, {transform_indices = @transform_2, window_bounds = array<i64: 400, 16>}, {transform_indices = @transform_3, window_bounds = array<i64: 400, 40>}]} {
    %get3A = arith.constant 0 : index
    %get3A_0 = arith.constant 0 : index
    %get3A_1 = arith.constant 0 : index
    %get3A_2 = vector.load %arg2[%get3A, %get3A_0, %get3A_1] : memref<2x400x48xf32, #tpu.memory_space<vmem>>, vector<1x400x48xf32>
    %get3A_3 = vector.shape_cast %get3A_2 : vector<1x400x48xf32> to vector<400x48xf32>
    %get3A_4 = arith.constant 1 : index
    %get3A_5 = arith.constant 0 : index
    %get3A_6 = arith.constant 0 : index
    %get3A_7 = vector.load %arg2[%get3A_4, %get3A_5, %get3A_6] : memref<2x400x48xf32, #tpu.memory_space<vmem>>, vector<1x400x48xf32>
    %get3A_8 = vector.shape_cast %get3A_7 : vector<1x400x48xf32> to vector<400x48xf32>
    %add3A = arith.addf %get3A_3, %get3A_8 : vector<400x48xf32>
    %get3A_9 = arith.constant 0 : index
    %get3A_10 = arith.constant 0 : index
    %get3A_11 = vector.load %arg3[%get3A_9, %get3A_10] : memref<400x16xf32, #tpu.memory_space<vmem>>, vector<400x1xf32>
    %get3A_12 = arith.constant 0 : index
    %get3A_13 = arith.constant 0 : index
    %get3A_14 = vector.load %arg1[%get3A_12, %get3A_13] : memref<400x48xf32, #tpu.memory_space<vmem>>, vector<400x48xf32>
    %max3A = arith.constant 1.000000e+00 : f32
    %max3A_15 = vector.broadcast %max3A : f32 to vector<400x1xf32>
    %max3A_16 = arith.maximumf %get3A_11, %max3A_15 : vector<400x1xf32>
    %div3A = vector.broadcast %max3A_16 : vector<400x1xf32> to vector<400x48xf32>
    %div3A_17 = arith.divf %add3A, %div3A : vector<400x48xf32>
    %add3A_18 = arith.addf %get3A_14, %div3A_17 : vector<400x48xf32>
    %slice3A = vector.extract_strided_slice %add3A_18 {offsets = [0, 0], sizes = [400, 40], strides = [1, 1]} : vector<400x48xf32> to vector<400x40xf32>
    %swap3A = arith.constant 0 : index
    %swap3A_19 = arith.constant 0 : index
    %swap3A_20 = vector.load %arg4[%swap3A, %swap3A_19] : memref<400x40xf32, #tpu.memory_space<vmem>>, vector<400x40xf32>
    tpu.vector_store %arg4[%swap3A, %swap3A_19], %slice3A {strides = array<i32>} : memref<400x40xf32, #tpu.memory_space<vmem>>, vector<400x40xf32>,
    return
  }
  func.func @transform_0(%arg0: i32) -> (i32, i32) {
    %c0_i32 = arith.constant 0 : i32
    %c0_i32_0 = arith.constant 0 : i32
    return %arg0, %c0_i32 : i32, i32
  }
  func.func @transform_1(%arg0: i32) -> (i32, i32, i32) {
    %c0_i32 = arith.constant 0 : i32
    %c0_i32_0 = arith.constant 0 : i32
    %c0_i32_1 = arith.constant 0 : i32
    return %c0_i32, %arg0, %c0_i32_0 : i32, i32, i32
  }
  func.func @transform_2(%arg0: i32) -> (i32, i32) {
    %c0_i32 = arith.constant 0 : i32
    %c0_i32_0 = arith.constant 0 : i32
    return %arg0, %c0_i32 : i32, i32
  }
  func.func @transform_3(%arg0: i32) -> (i32, i32) {
    %c0_i32 = arith.constant 0 : i32
    %c0_i32_0 = arith.constant 0 : i32
    return %arg0, %c0_i32 : i32, i32
  }
}

</mosaic_0001>

<sc_bundles>
// kernel: kernel.6.cloned.1.call-start
scs
__scs_entry_jumppad:
0x0: {  	(pc) =	sbr.rel $0x88, $3  }
0x1: {  	(tag) =	ssettag $0x0;
	lr =	simm.s32 $0x1  }
0x2: {  	[smem:$0x3F99] =	sst lr;
	_ =	strace $0xD0000000  }
0x3: {  	_ = 	snop  }
0x4: {  	_ = 	snop  }
0x5: {  	_ = 	snop  }
0x6: {  	_ = 	snop  }
0x7: {  	_ = 	snop  }
__scs_overlays_trampoline_lowered:
0x8: {  	[smem:$0x3FA8] =	sst s0  }
0x9: {  	[smem:$0x3FA9] =	sst s1  }
0xa: {  	[smem:$0x3FAA] =	sst s2  }
0xb: {  	[smem:$0x3FAB] =	sst s3  }
0xc: {  	[smem:$0x3FAC] =	sst s4  }
0xd: {  	[smem:$0x3FAD] =	sst s5  }
0xe: {  	[smem:$0x3FAE] =	sst s6  }
0xf: {  	[smem:$0x3FAF] =	sst s7  }
0x10: {  	[smem:$0x3FB0] =	sst s8  }
0x11: {  	[smem:$0x3FB1] =	sst s9;
	s0 =	simm.s32 @!p0 $0x0  }
0x12: {  	s1 =	sld [smem:$0x3F97];
	s0 =	simm.s32 @p0 $0x1  }
0x13: {  	[smem:$0x3FB2] =	sst s0;
	s0 =	simm.s32 @!p1 $0x0  }
0x14: {  	s2 =	sld [smem:$0x3F96];
	s0 =	simm.s32 @p1 $0x1  }
0x15: {  	[smem:$0x3FB3] =	sst s0;
	s0 =	simm.s32 @!p2 $0x0  }
0x16: {  	s3 =	sld [smem:$0x3FDB];
	s0 =	simm.s32 @p2 $0x1  }
0x17: {  	s4 =	simm.s32 $0x1BF5;
	[smem:$0x3FB5] =	sst s0  }
0x18: {  	s0 =	sld [smem:$0x3F98];
	_ =	swait.ge [sflag:s4], $0x0  }
0x19: {  	s7 =	sld [smem:$0x3F99]  }
0x1a: {  	s8 =	sadd.s32 $0xFFFFE003, lr  }
0x1b: {  	s9 =	sadd.s32 $0xFFFFFEF7, lr;
	s5 =	simm.s32 $0xFFFFFFFF;
	p2 =	slt.u32 s8, $0xFFFFF086  }
0x1c: {  	p1 =	slt.u32 s9, $0xF7A;
	s5 =	simm.s32 @!p2 $0x0  }
0x1d: {  	s5 =	simm.s32 @p1 $0x1;
	p0 =	seq.s32 s7, s2  }
0x1e: {  	s7 =	smul.u32 @!p0 $0xF7A, s2;
	p2 =	seq.s32 @!p0 s5, $0x0  }
0x1f: {  	s9 =	smul.u32 $0xF7A, s1;
	s8 =	simm.s32 @!p0 $0x1BF5;
	p2 =	por !p2, p0  }
0x20: {  	[sflag:s8] =	ssyncset.s32 @!p0 $0xFFFFF086;
	s6 =	sadd.s32 @!p0 s3, s7;
	s7 =	simm.s32 @!p0 $0x108  }
0x21: {  	s3 =	sadd.s32 s3, s9;
	s6 =	sadd.s32 @!p0 $0x88, s6;
	s7 =	simm.s32 @p2 $0x1082  }
0x22: {  	[simem:s7], [sflag:s8] =	dma.local @!p0 [hbm:s6], $0xF7A  }
0x23: {  	s9 =	sor.u32 $0xD0000000, s2;
	s6 =	simm.s32 $0x108;
	_ =	swait.ge @!p0 [sflag:s8], $0x0  }
0x24: {  	s3 =	sadd.s32 $0x88, s3;
	s6 =	simm.s32 @!p1 $0x1082;
	[sflag:s4] =	ssyncset.s32 $0xFFFFF086  }
0x25: {  	[simem:s6], [sflag:s4] =	dma.local [hbm:s3], $0xF7A  }
0x26: {  	[smem:$0x3F99] =	sst s1;
	(tag) =	ssettag s2;
	_ =	strace s9  }
0x27: {  	s1 =	sld [smem:$0x3FA9]  }
0x28: {  	s2 =	sld [smem:$0x3FAA]  }
0x29: {  	s4 =	sld [smem:$0x3FAC]  }
0x2a: {  	p0 =	seq.s32 s5, $0x0;
	s5 =	sld [smem:$0x3FAD]  }
0x2b: {  	s6 =	sld [smem:$0x3FAE]  }
0x2c: {  	s7 =	sld [smem:$0x3FAF]  }
0x2d: {  	s3 =	simm.s32 $0x108;
	s8 =	sld [smem:$0x3FB0]  }
0x2e: {  	s3 =	simm.s32 @!p0 $0x1082;
	s9 =	sld [smem:$0x3FB1]  }
0x2f: {  	lr =	sadd.s32 s0, s3;
	s0 =	sld [smem:$0x3FA8]  }
0x30: {  	s3 =	sld [smem:$0x3FAB]  }
0x31: {  	[smem:$0x3FB4] =	sst s10  }
0x32: {  	s10 =	sld [smem:$0x3FB2];
	_ =	sdelay $0x3  }
0x33: {  	p0 =	seq.s32 s10, $0x1;
	s10 =	sld [smem:$0x3FB4];
	_ =	sdelay $0x3  }
0x34: {  	[smem:$0x3FB4] =	sst s10  }
0x35: {  	s10 =	sld [smem:$0x3FB3];
	_ =	sdelay $0x3  }
0x36: {  	p1 =	seq.s32 s10, $0x1;
	s10 =	sld [smem:$0x3FB4];
	_ =	sdelay $0x3  }
0x37: {  	[smem:$0x3FB4] =	sst s10  }
0x38: {  	s10 =	sld [smem:$0x3FB5]  }
0x39: {  	_ = 	snop;
	(pc) =	sbr.ind lr, $3  }
0x3a: {  	_ = 	snop  }
0x3b: {  	_ = 	snop  }
0x3c: {  	p2 =	seq.s32 s10, $0x1;
	s10 =	sld [smem:$0x3FB4]  }
0x3d: {  	_ =	shalt  }
0x3e: {  	_ =	shalt  }
0x3f: {  	_ =	shalt  }
0x40: {  	_ =	shalt  }
0x41: {  	_ =	shalt  }
0x42: {  	_ =	shalt  }
0x43: {  	_ =	shalt  }
0x44: {  	_ =	shalt  }
0x45: {  	_ =	shalt  }
0x46: {  	_ =	shalt  }
0x47: {  	_ =	shalt  }
0x48: {  	_ =	shalt  }
0x49: {  	_ =	shalt  }
0x4a: {  	_ =	shalt  }
0x4b: {  	_ =	shalt  }
0x4c: {  	_ =	shalt  }
0x4d: {  	_ =	shalt  }
0x4e: {  	_ =	shalt  }
0x4f: {  	_ =	shalt  }
0x50: {  	_ =	shalt  }
0x51: {  	_ =	shalt  }
0x52: {  	_ =	shalt  }
0x53: {  	_ =	shalt  }
0x54: {  	_ =	shalt  }
0x55: {  	_ =	shalt  }
0x56: {  	_ =	shalt  }
0x57: {  	_ =	shalt  }
0x58: {  	_ =	shalt  }
0x59: {  	_ =	shalt  }
0x5a: {  	_ =	shalt  }
0x5b: {  	_ =	shalt  }
0x5c: {  	_ =	shalt  }
0x5d: {  	_ =	shalt  }
0x5e: {  	_ =	shalt  }
0x5f: {  	_ =	shalt  }
0x60: {  	_ =	shalt  }
0x61: {  	_ =	shalt  }
0x62: {  	_ =	shalt  }
0x63: {  	_ =	shalt  }
0x64: {  	_ =	shalt  }
0x65: {  	_ =	shalt  }
0x66: {  	_ =	shalt  }
0x67: {  	_ =	shalt  }
0x68: {  	_ =	shalt  }
0x69: {  	_ =	shalt  }
0x6a: {  	_ =	shalt  }
0x6b: {  	_ =	shalt  }
0x6c: {  	_ =	shalt  }
0x6d: {  	_ =	shalt  }
0x6e: {  	_ =	shalt  }
0x6f: {  	_ =	shalt  }
0x70: {  	_ =	shalt  }
0x71: {  	_ =	shalt  }
0x72: {  	_ =	shalt  }
0x73: {  	_ =	shalt  }
0x74: {  	_ =	shalt  }
0x75: {  	_ =	shalt  }
0x76: {  	_ =	shalt  }
0x77: {  	_ =	shalt  }
0x78: {  	_ =	shalt  }
0x79: {  	_ =	shalt  }
0x7a: {  	_ =	shalt  }
0x7b: {  	_ =	shalt  }
0x7c: {  	_ =	shalt  }
0x7d: {  	_ =	shalt  }
0x7e: {  	_ =	shalt  }
0x7f: {  	_ =	shalt  }
0x80: {  	_ =	shalt  }
0x81: {  	_ =	shalt  }
0x82: {  	_ =	shalt  }
0x83: {  	_ =	shalt  }
0x84: {  	_ =	shalt  }
0x85: {  	_ =	shalt  }
0x86: {  	_ =	shalt  }
0x87: {  	_ =	shalt  }
.Lfunc_end0:
.L_simem_size_0:
called_computation_lowered:
.L_overlay_start_0:
0x88: {  	s2 =	sld [smem:$0x3FD9]  }
0x89: {  	s3 =	sld [smem:$0x3FFE];
	_ =	sdelay $0x1  }
0x8a: {  	s1 =	srdreg.scid  }
0x8b: {  	s0 =	sand.u32 $0x1, s1  }
0x8c: {  	s16 =	sshll.u32 s0, $0xA;
	s2 =	sadd.s32 s3, s2  }
0x8d: {  	s2 =	sadd.s32 s2, s16  }
0x8e: {  	[smem:$0x3FC0] =	sst s2  }
0x8f: {  	_ = 	snop  }
0x90: {  	(tm) =	ssettm $0x1  }
0x91: {  	s17 =	sld [smem:$0x3FFB];
	_ =	sdelay $0x3  }
0x92: {  	_ =	strace s17  }
0x93: {  	s2 =	sld [smem:$0x3FFC];
	_ =	sdelay $0x3  }
0x94: {  	_ =	strace s2  }
0x95: {  	s2 =	sld [smem:$0x3FFD];
	_ =	sdelay $0x3  }
0x96: {  	_ =	strace s2  }
0x97: {  	_ =	strace $0x8FFFFFFF  }
0x98: {  	s18 =	sld [smem:$0x3FDB];
	_ =	sdelay $0x1  }
0x99: {  	s19 =	simm.s32 $_scs_section_size  }
0x9a: {  	s4 =	simm.s32 $_size__tile_overlayer_lowered;
	s5 =	simm.s32 $_tile_overlayer_lowered  }
0x9b: {  	s22 =	simm.s32 $0x1BFF;
	s21 =	sshll.u32 s5, $0x1;
	s2 =	sadd.s32 s19, s18  }
0x9c: {  	s6 =	simm.s32 $0x0;
	s20 =	sshll.u32 s4, $0x1;
	s4 =	sadd.s32 s21, s2  }
0x9d: {  	[timem:s6], [sflag:s22] =	dma.local [hbm:s4], s20  }
0x9e: {  	_ =	swait.ge [sflag:s22], s20  }
0x9f: {  	s3 =	ssub.s32 $0x0, s20;
	[sflag:s22] =	ssyncset.done $0x0  }
0xa0: {  	[sflag:s22] =	ssyncadd.s32 s3;
	_ =	sdelay $0x1  }
0xa1: {  	s23 =	simm.s32 $0x1B8B  }
0xa2: {  	_ =	swait.ge [sflag:s23], $0x1  }
0xa3: {  	[sflag:s23] =	ssyncset.done $0x0  }
0xa4: {  	s25 =	simm.s32 $0x1B8E;
	s24 =	sld [smem:$0x3FFE];
	[sflag:s23] =	ssyncadd.s32 $0xFFFFFFFF  }
0xa5: {  	s26 =	simm.s32 $execute0_lowered;
	[smem:$0x3FD2] =	sst s25  }
0xa6: {  	s4 =	sshll.u32 s26, $0x1;
	_ =	strace $0x80000046;
	[dreg:$0x1] =	wrdreg $0xFFFFFFFF  }
0xa7: {  	s28 =	simm.s32 $_size_execute0_lowered;
	s2 =	sadd.s32 s2, s4;
	[dreg:$0x0] =	wrdreg $0x0  }
0xa8: {  	s4 =	sshll.u32 s28, $0x1;
	[dreg:$0x2] =	wrdreg s2  }
0xa9: {  	[dreg:$0x3] =	wrdreg s4  }
0xaa: {  	[dreg:$0x4] =	wrdreg $0xC0  }
0xab: {  	_ =	task [dreg:s6], $0x5FFFF  }
0xac: {  	[dreg:$0x1] =	wrdreg $0xFFFFFFFF  }
0xad: {  	[dreg:$0x0] =	wrdreg $0x60  }
0xae: {  	[dreg:$0x2] =	wrdreg s24  }
0xaf: {  	[dreg:$0x3] =	wrdreg $0xC5000  }
0xb0: {  	[dreg:$0x4] =	wrdreg $0x163000  }
0xb1: {  	[dreg:$0x5] =	wrdreg $0x9  }
0xb2: {  	_ =	task.clear_ibuf [dreg:s6], $0x6FFFF;
	_ =	strace $0x90000046  }
0xb3: {  	s29 =	simm.s32 $0x9;
	_ =	strace $0x80000048  }
0xb4: {  	_ =	swait.ge [sflag:s29], $0x1  }
0xb5: {  	[sflag:s29] =	ssyncadd.s32 $0xFFFFFFFF  }
0xb6: {  	_ =	strace $0x90000048  }
0xb7: {  	_ =	sfence  }
0xb8: {  	s30 =	sld [smem:$0x0];
	_ =	sdelay $0x2  }
0xb9: {  	s31 =	sshll.u32 s1, $0xD;
	s1 =	sshrl.u32 s1, $0x2  }
0xba: {  	s3 =	sand.u32 $0x4000, s31;
	s1 =	sadd.s32 s1, s30  }
0xbb: {  	s0 =	sor.u32 s3, s0;
	s1 =	sshll.u32 s1, $0x11  }
0xbc: {  	s0 =	sor.u32 s1, s0  }
0xbd: {  	s0 =	sadd.s32 $0x8F2B, s0  }
0xbe: {  	[sflag:s0] =	ssyncadd.remote.s32 $0x1  }
0xbf: {  	_ =	sfence.sel $0xFFFF  }
0xc0: {  	[dreg:$0x0] =	wrdreg $0xFFFFFFFF;
	(pc) =	sbr.abs _section_cstart, $3  }
0xc1: {  	[dreg:$0x1] =	wrdreg $0xFFFFFFFF  }
0xc2: {  	_ =	task.clear_ibuf [dreg:s6], $0x2FFFF;
	_ =	strace $0x9FFFFFFF  }
0xc3: {  	(tm) =	ssettm $0x7FFFFFFF  }
tec
execute0_lowered:
.L_overlay_start_1:
0x0: {  	(tag) =	ssettag $0x1  }
0x1: {  	s9 =	rddreg [dreg:$0x0]  }
0x2: {  	s2 =	rddreg [dreg:$0x1];
	s1 =	srdreg.scid  }
0x3: {  	s0 =	stileid.u32;
	s3 =	rddreg [dreg:$0x2];
	s4 =	simm.s32 $0x0  }
0x4: {  	s19 =	simm.s32 $0x4E80;
	s20 =	simm.s32 $0xBD00;
	s21 =	simm.s32 $0x80  }
0x5: {  	s22 =	simm.s32 $0x9D00;
	s23 =	simm.s32 $0x1;
	s6 =	smul.u32 $0x4E80, s0  }
0x6: {  	s24 =	sand.u32 $0x1, s1;
	s1 =	rddreg [dreg:$0x3];
	s10 =	smul.u32 $0x9E00, s0  }
0x7: {  	[smem:$0x7FF] =	sst s4;
	s5 =	sadd.s32 $0x15200, s9;
	s13 =	smul.u32 $0x2780, s0  }
0x8: {  	s8 =	sadd.s32 $0x46200, s9;
	s31 =	sshll.u32 s0, $0x6;
	s7 =	smul.u32 $0x4E800, s24  }
0x9: {  	_ =	strace $0x80000047;
	s16 =	ssub.s32 $0x2, s24;
	p0 =	sne.s32 s24, $0x0  }
0xa: {  	s24 =	simm.s32 $0x0;
	s14 =	sshrl.u32 s10, $0x3;
	s15 =	sshrl.u32 s13, $0x3  }
0xb: {  	s30 =	sshrl.u32 s16, $0x1;
	s17 =	sadd.s32 s10, s2;
	s18 =	sadd.s32 s13, s3  }
0xc: {  	s7 =	sadd.s32 s6, s7;
	s6 =	sshrl.u32 s6, $0x3;
	s14 =	sadd.s32 s14, s9  }
0xd: {  	s15 =	sadd.s32 s15, s9;
	s16 =	ssub.s32 s16, s30;
	s18 =	sshrl.u32 s18, $0x3  }
.Ltmp0:
0xe: {  	s7 =	sshrl.u32 s7, $0x3;
	s12 =	sadd.s32 s6, s9;
	(pc) =	sbr.rel .LBB2_1-.Ltmp0, $4  }
0xf: {  	s6 =	sadd.s32 $0x46400, s9;
	s13 =	sadd.s32 $0x4CE00, s14;
	s11 =	sadd.s32 s7, s9  }
0x10: {  	s7 =	sadd.s32 $0x47800, s9;
	s9 =	sor.u32 $0x1C02, s31;
	s10 =	sadd.s32 $0x1800, s11  }
0x11: {  	s11 =	sadd.s32 $0x3C400, s12;
	s12 =	sadd.s32 $0x60A00, s14;
	s14 =	sadd.s32 $0x47E00, s15  }
0x12: {  	s15 =	smax.u32 s16, $0x1;
	s16 =	sshrl.u32 s17, $0x3;
	s17 =	simm.s32 $0x2  }
.LBB2_7:
0x13: {  	[bflag:$0x0] =	sbarrier.arrive $0xFFFF  }
0x14: {  	[hbm:s12], [sflag:s9] =	dma.local [spmem:s16], $0x13C0  }
0x15: {  	_ =	swait.ge [sflag:s17], $0x13C0  }
0x16: {  	[sflag:s17] =	ssyncset.done $0x0  }
0x17: {  	[sflag:s17] =	ssyncadd.s32 $0xFFFFEC40  }
.LBB2_8:
0x18: {  	s24 =	sadd.s32 $0x1, s24  }
0x19: {  	p1 =	sne.s32 s24, s15  }
.Ltmp1:
0x1a: {  	_ = 	snop;
	(pc) =	sbr.rel @!p1 .LBB2_9-.Ltmp1, $1  }
0x1b: {  	_ =	sdelay $0x3  }
.LBB2_1:
0x1c: {  	[spmem:s16], [sflag:s9] =	dma.local [hbm:s6], $0x13C0  }
0x1d: {  	_ =	swait.ge [sflag:s17], $0x13C0  }
0x1e: {  	[sflag:s17] =	ssyncset.done $0x0  }
0x1f: {  	[sflag:s17] =	ssyncadd.s32 $0xFFFFEC40  }
0x20: {  	[spmem:s18], [sflag:s9] =	dma.local [hbm:s7], $0x4F0  }
0x21: {  	_ =	swait.ge [sflag:s17], $0x4F0  }
0x22: {  	[sflag:s17] =	ssyncset.done $0x0  }
0x23: {  	[sflag:s17] =	ssyncadd.s32 $0xFFFFFB10  }
0x24: {  	[tilespmem:s4], [sflag:$0x2] =	stream.linear.gather [hbm4b:s10+s4], $0x4E80, $0x38;
	[tilespmem:$0x18A80] =	vst v63  }
0x25: {  	_ =	swait.ge [sflag:s17], $0x4E80  }
0x26: {  	[sflag:s17] =	ssyncset.done $0x0  }
0x27: {  	[sflag:s17] =	ssyncadd.s32 $0xFFFFB180  }
0x28: {  	[tilespmem:s19], [sflag:$0x2] =	stream.linear.gather [hbm4b:s11+s4], $0x4E80, $0x38;
	[tilespmem:$0x18A80] =	vst v63  }
0x29: {  	_ =	swait.ge [sflag:s17], $0x4E80  }
0x2a: {  	[sflag:s17] =	ssyncset.done $0x0  }
0x2b: {  	[sflag:s17] =	ssyncadd.s32 $0xFFFFB180  }
0x2c: {  	[tilespmem:s20], [sflag:$0x2] =	stream.linear.gather [hbm4b:s8+s4], $0x800, $0x38;
	[tilespmem:$0x18A80] =	vst v63  }
0x2d: {  	_ =	swait.ge [sflag:s17], $0x800  }
0x2e: {  	[sflag:s17] =	ssyncset.done $0x0  }
0x2f: {  	[sflag:s17] =	ssyncadd.s32 $0xFFFFF800  }
0x30: {  	s25 =	simm.s32 $0x0;
	[bflag:$0x0] =	sbarrier.arrive $0xFFFF  }
0x31: {  	[tilespmem:s22], [sflag:$0x1] =	stream.indirect.gather [hbm4b:s5+s21], $0x40, s25, s21, $0xb8;
	[tilespmem:$0x18A80] =	vst v63  }
0x32: {  	_ =	swait.ge [sflag:s23], $0x2000  }
0x33: {  	[sflag:s23] =	ssyncset.done $0x0  }
0x34: {  	s31 =	simm.s32 $0x4E80;
	[sflag:s23] =	ssyncadd.s32 $0xFFFFE000  }
0x35: {  	[spmem:s2] =	stream.indirect.scatter.add.f32 [tilespmem:s22], [sflag:$0x2], $0x40, s31, s21, $0xb8;
	[tilespmem:$0x18A80] =	vst v63  }
0x36: {  	_ =	swait.ge [sflag:s17], $0x2000  }
0x37: {  	s26 =	simm.s32 $0x400;
	s25 =	simm.s32 $0x200;
	[sflag:s17] =	ssyncset.done $0x0  }
.LBB2_2:
0x38: {  	s28 =	sshra.s32 s25, $0x2  }
0x39: {  	[sflag:s17] =	ssyncadd.s32 $0xFFFFE000;
	s25 =	smov.u32 s26;
	s29 =	sadd.s32 $0x200, s26  }
0x3a: {  	[tilespmem:s22], [sflag:$0x1] =	stream.indirect.gather [hbm4b:s5+s21], $0x40, s28, s21, $0xb8;
	[tilespmem:$0x18A80] =	vst v63  }
0x3b: {  	p1 =	sne.s32 s26, $0x13800;
	_ =	swait.ge [sflag:s23], $0x2000  }
.Ltmp2:
0x3c: {  	[sflag:s23] =	ssyncset.done $0x0;
	(pc) =	sbr.rel @p1 .LBB2_2-.Ltmp2, $4  }
0x3d: {  	s26 =	sadd.s32 $0x4E80, s28;
	[sflag:s23] =	ssyncadd.s32 $0xFFFFE000  }
0x3e: {  	[spmem:s2] =	stream.indirect.scatter.add.f32 [tilespmem:s22], [sflag:$0x2], $0x40, s26, s21, $0xb8;
	[tilespmem:$0x18A80] =	vst v63  }
0x3f: {  	_ =	swait.ge [sflag:s17], $0x2000  }
0x40: {  	s26 =	smov.u32 s29;
	[sflag:s17] =	ssyncset.done $0x0  }
0x41: {  	s25 =	sshra.s32 s25, $0x2;
	[sflag:s17] =	ssyncadd.s32 $0xFFFFE000  }
0x42: {  	[tilespmem:s22], [sflag:$0x1] =	stream.indirect.gather [hbm4b:s5+s21], $0x40, s25, s21, $0xb8;
	[tilespmem:$0x18A80] =	vst v63  }
0x43: {  	_ =	swait.ge [sflag:s23], $0x2000  }
0x44: {  	[sflag:s23] =	ssyncset.done $0x0  }
.Ltmp3:
0x45: {  	s25 =	sadd.s32 $0x4E80, s25;
	[sflag:s23] =	ssyncadd.s32 $0xFFFFE000;
	(pc) =	sbr.rel @p0 .LBB2_7-.Ltmp3, $4  }
0x46: {  	[spmem:s2] =	stream.indirect.scatter.add.f32 [tilespmem:s22], [sflag:$0x2], $0x40, s25, s21, $0xb8;
	[tilespmem:$0x18A80] =	vst v63  }
0x47: {  	_ =	swait.ge [sflag:s17], $0x2000  }
0x48: {  	[sflag:s17] =	ssyncset.done $0x0  }
0x49: {  	s25 =	simm.s32 $0x0;
	[sflag:s17] =	ssyncadd.s32 $0xFFFFE000  }
0x4a: {  	s26 =	sshra.s32 s25, $0x2  }
0x4b: {  	s26 =	sadd.s32 $0x4E80, s26  }
0x4c: {  	[spmem:s3] =	stream.indirect.scatter.add.f32 [tilespmem:s20], [sflag:$0x2], $0x10, s26, s21, $0xb8;
	[tilespmem:$0x18A80] =	vst v63  }
0x4d: {  	s25 =	sadd.s32 $0x200, s25;
	_ =	swait.ge [sflag:s17], $0x800  }
.LBB2_5:
0x4e: {  	s26 =	sshra.s32 s25, $0x2;
	[sflag:s17] =	ssyncset.done $0x0;
	p1 =	sne.s32 s25, $0x13800  }
.Ltmp4:
0x4f: {  	s26 =	sadd.s32 $0x4E80, s26;
	[sflag:s17] =	ssyncadd.s32 $0xFFFFF800;
	(pc) =	sbr.rel @p1 .LBB2_5-.Ltmp4, $3  }
0x50: {  	[spmem:s3] =	stream.indirect.scatter.add.f32 [tilespmem:s20], [sflag:$0x2], $0x10, s26, s21, $0xb8;
	[tilespmem:$0x18A80] =	vst v63  }
0x51: {  	s25 =	sadd.s32 $0x200, s25;
	_ =	sdelay $0x1  }
0x52: {  	_ =	swait.ge [sflag:s17], $0x800  }
0x53: {  	[sflag:s17] =	ssyncset.done $0x0  }
0x54: {  	[sflag:s17] =	ssyncadd.s32 $0xFFFFF800  }
0x55: {  	[bflag:$0x0] =	sbarrier.arrive $0xFFFF  }
0x56: {  	[hbm:s13], [sflag:s9] =	dma.local [spmem:s16], $0x13C0  }
0x57: {  	_ =	swait.ge [sflag:s17], $0x13C0  }
0x58: {  	[sflag:s17] =	ssyncset.done $0x0  }
.Ltmp5:
0x59: {  	[sflag:s17] =	ssyncadd.s32 $0xFFFFEC40;
	(pc) =	sbr.rel .LBB2_8-.Ltmp5, $4  }
0x5a: {  	[hbm:s14], [sflag:s9] =	dma.local [spmem:s18], $0x4F0  }
0x5b: {  	_ =	swait.ge [sflag:s17], $0x4F0  }
0x5c: {  	[sflag:s17] =	ssyncset.done $0x0  }
0x5d: {  	[sflag:s17] =	ssyncadd.s32 $0xFFFFFB10  }
.LBB2_9:
0x5e: {  	_ =	sfence.sel $0x180000  }
0x5f: {  	[bflag:$0x0] =	sbarrier.arrive $0xFFFF  }
0x60: {  	p0 =	sne.s32 s0, $0x0;
	_ =	strace $0x90000047  }
0x61: {  	s0 =	sadd.s32 @!p0 $0x100000, s1;
	[bflag:$0x2] =	sbarrier.arrive $0xFFFF  }
0x62: {  	[sflag:s0] =	ssyncadd.tile.s32 @!p0 $0x1;
	_ =	shalt  }
.Lfunc_end2:
_tile_overlayer_lowered:
.L_overlay_start_2:
0x63: {  	(tag) =	ssettag $0x2  }
0x64: {  	s0 =	rddreg [dreg:$0x0];
	s2 =	stileid.u32  }
0x65: {  	s1 =	rddreg [dreg:$0x1];
	p0 =	sne.s32 s2, $0x0  }
0x66: {  	s3 =	rddreg [dreg:$0x2];
	[bflag:$0x3] =	sbarrier.arrive $0xFFFF;
	s2 =	simm.s32 @!p0 $0x1C02  }
0x67: {  	[timem:s3], [sflag:s2] =	dma.local @!p0 [hbm:s0], s1  }
0x68: {  	s0 =	simm.s32 @!p0 $0x2  }
0x69: {  	_ =	swait.ge @!p0 [sflag:s0], s1  }
0x6a: {  	s1 =	ssub.s32 @!p0 $0x0, s1;
	[sflag:s0] =	ssyncset.done @!p0 $0x0  }
0x6b: {  	[sflag:s0] =	ssyncadd.s32 @!p0 s1  }
0x6c: {  	[bflag:$0x3] =	sbarrier.arrive $0xFFFF  }
0x6d: {  	_ =	shalt  }

// kernel: kernel.9.cloned.1.call-start
scs
__scs_entry_jumppad:
0x0: {  	(pc) =	sbr.rel $0x88, $3  }
0x1: {  	(tag) =	ssettag $0x0;
	lr =	simm.s32 $0x1  }
0x2: {  	[smem:$0x3F99] =	sst lr;
	_ =	strace $0xD0000000  }
0x3: {  	_ = 	snop  }
0x4: {  	_ = 	snop  }
0x5: {  	_ = 	snop  }
0x6: {  	_ = 	snop  }
0x7: {  	_ = 	snop  }
__scs_overlays_trampoline_lowered:
0x8: {  	[smem:$0x3FA8] =	sst s0  }
0x9: {  	[smem:$0x3FA9] =	sst s1  }
0xa: {  	[smem:$0x3FAA] =	sst s2  }
0xb: {  	[smem:$0x3FAB] =	sst s3  }
0xc: {  	[smem:$0x3FAC] =	sst s4  }
0xd: {  	[smem:$0x3FAD] =	sst s5  }
0xe: {  	[smem:$0x3FAE] =	sst s6  }
0xf: {  	[smem:$0x3FAF] =	sst s7  }
0x10: {  	[smem:$0x3FB0] =	sst s8  }
0x11: {  	[smem:$0x3FB1] =	sst s9;
	s0 =	simm.s32 @!p0 $0x0  }
0x12: {  	s1 =	sld [smem:$0x3F97];
	s0 =	simm.s32 @p0 $0x1  }
0x13: {  	[smem:$0x3FB2] =	sst s0;
	s0 =	simm.s32 @!p1 $0x0  }
0x14: {  	s2 =	sld [smem:$0x3F96];
	s0 =	simm.s32 @p1 $0x1  }
0x15: {  	[smem:$0x3FB3] =	sst s0;
	s0 =	simm.s32 @!p2 $0x0  }
0x16: {  	s3 =	sld [smem:$0x3FDB];
	s0 =	simm.s32 @p2 $0x1  }
0x17: {  	s4 =	simm.s32 $0x1BF5;
	[smem:$0x3FB5] =	sst s0  }
0x18: {  	s0 =	sld [smem:$0x3F98];
	_ =	swait.ge [sflag:s4], $0x0  }
0x19: {  	s7 =	sld [smem:$0x3F99]  }
0x1a: {  	s8 =	sadd.s32 $0xFFFFE003, lr  }
0x1b: {  	s9 =	sadd.s32 $0xFFFFFEF7, lr;
	s5 =	simm.s32 $0xFFFFFFFF;
	p2 =	slt.u32 s8, $0xFFFFF086  }
0x1c: {  	p1 =	slt.u32 s9, $0xF7A;
	s5 =	simm.s32 @!p2 $0x0  }
0x1d: {  	s5 =	simm.s32 @p1 $0x1;
	p0 =	seq.s32 s7, s2  }
0x1e: {  	s7 =	smul.u32 @!p0 $0xF7A, s2;
	p2 =	seq.s32 @!p0 s5, $0x0  }
0x1f: {  	s9 =	smul.u32 $0xF7A, s1;
	s8 =	simm.s32 @!p0 $0x1BF5;
	p2 =	por !p2, p0  }
0x20: {  	[sflag:s8] =	ssyncset.s32 @!p0 $0xFFFFF086;
	s6 =	sadd.s32 @!p0 s3, s7;
	s7 =	simm.s32 @!p0 $0x108  }
0x21: {  	s3 =	sadd.s32 s3, s9;
	s6 =	sadd.s32 @!p0 $0x88, s6;
	s7 =	simm.s32 @p2 $0x1082  }
0x22: {  	[simem:s7], [sflag:s8] =	dma.local @!p0 [hbm:s6], $0xF7A  }
0x23: {  	s9 =	sor.u32 $0xD0000000, s2;
	s6 =	simm.s32 $0x108;
	_ =	swait.ge @!p0 [sflag:s8], $0x0  }
0x24: {  	s3 =	sadd.s32 $0x88, s3;
	s6 =	simm.s32 @!p1 $0x1082;
	[sflag:s4] =	ssyncset.s32 $0xFFFFF086  }
0x25: {  	[simem:s6], [sflag:s4] =	dma.local [hbm:s3], $0xF7A  }
0x26: {  	[smem:$0x3F99] =	sst s1;
	(tag) =	ssettag s2;
	_ =	strace s9  }
0x27: {  	s1 =	sld [smem:$0x3FA9]  }
0x28: {  	s2 =	sld [smem:$0x3FAA]  }
0x29: {  	s4 =	sld [smem:$0x3FAC]  }
0x2a: {  	p0 =	seq.s32 s5, $0x0;
	s5 =	sld [smem:$0x3FAD]  }
0x2b: {  	s6 =	sld [smem:$0x3FAE]  }
0x2c: {  	s7 =	sld [smem:$0x3FAF]  }
0x2d: {  	s3 =	simm.s32 $0x108;
	s8 =	sld [smem:$0x3FB0]  }
0x2e: {  	s3 =	simm.s32 @!p0 $0x1082;
	s9 =	sld [smem:$0x3FB1]  }
0x2f: {  	lr =	sadd.s32 s0, s3;
	s0 =	sld [smem:$0x3FA8]  }
0x30: {  	s3 =	sld [smem:$0x3FAB]  }
0x31: {  	[smem:$0x3FB4] =	sst s10  }
0x32: {  	s10 =	sld [smem:$0x3FB2];
	_ =	sdelay $0x3  }
0x33: {  	p0 =	seq.s32 s10, $0x1;
	s10 =	sld [smem:$0x3FB4];
	_ =	sdelay $0x3  }
0x34: {  	[smem:$0x3FB4] =	sst s10  }
0x35: {  	s10 =	sld [smem:$0x3FB3];
	_ =	sdelay $0x3  }
0x36: {  	p1 =	seq.s32 s10, $0x1;
	s10 =	sld [smem:$0x3FB4];
	_ =	sdelay $0x3  }
0x37: {  	[smem:$0x3FB4] =	sst s10  }
0x38: {  	s10 =	sld [smem:$0x3FB5]  }
0x39: {  	_ = 	snop;
	(pc) =	sbr.ind lr, $3  }
0x3a: {  	_ = 	snop  }
0x3b: {  	_ = 	snop  }
0x3c: {  	p2 =	seq.s32 s10, $0x1;
	s10 =	sld [smem:$0x3FB4]  }
0x3d: {  	_ =	shalt  }
0x3e: {  	_ =	shalt  }
0x3f: {  	_ =	shalt  }
0x40: {  	_ =	shalt  }
0x41: {  	_ =	shalt  }
0x42: {  	_ =	shalt  }
0x43: {  	_ =	shalt  }
0x44: {  	_ =	shalt  }
0x45: {  	_ =	shalt  }
0x46: {  	_ =	shalt  }
0x47: {  	_ =	shalt  }
0x48: {  	_ =	shalt  }
0x49: {  	_ =	shalt  }
0x4a: {  	_ =	shalt  }
0x4b: {  	_ =	shalt  }
0x4c: {  	_ =	shalt  }
0x4d: {  	_ =	shalt  }
0x4e: {  	_ =	shalt  }
0x4f: {  	_ =	shalt  }
0x50: {  	_ =	shalt  }
0x51: {  	_ =	shalt  }
0x52: {  	_ =	shalt  }
0x53: {  	_ =	shalt  }
0x54: {  	_ =	shalt  }
0x55: {  	_ =	shalt  }
0x56: {  	_ =	shalt  }
0x57: {  	_ =	shalt  }
0x58: {  	_ =	shalt  }
0x59: {  	_ =	shalt  }
0x5a: {  	_ =	shalt  }
0x5b: {  	_ =	shalt  }
0x5c: {  	_ =	shalt  }
0x5d: {  	_ =	shalt  }
0x5e: {  	_ =	shalt  }
0x5f: {  	_ =	shalt  }
0x60: {  	_ =	shalt  }
0x61: {  	_ =	shalt  }
0x62: {  	_ =	shalt  }
0x63: {  	_ =	shalt  }
0x64: {  	_ =	shalt  }
0x65: {  	_ =	shalt  }
0x66: {  	_ =	shalt  }
0x67: {  	_ =	shalt  }
0x68: {  	_ =	shalt  }
0x69: {  	_ =	shalt  }
0x6a: {  	_ =	shalt  }
0x6b: {  	_ =	shalt  }
0x6c: {  	_ =	shalt  }
0x6d: {  	_ =	shalt  }
0x6e: {  	_ =	shalt  }
0x6f: {  	_ =	shalt  }
0x70: {  	_ =	shalt  }
0x71: {  	_ =	shalt  }
0x72: {  	_ =	shalt  }
0x73: {  	_ =	shalt  }
0x74: {  	_ =	shalt  }
0x75: {  	_ =	shalt  }
0x76: {  	_ =	shalt  }
0x77: {  	_ =	shalt  }
0x78: {  	_ =	shalt  }
0x79: {  	_ =	shalt  }
0x7a: {  	_ =	shalt  }
0x7b: {  	_ =	shalt  }
0x7c: {  	_ =	shalt  }
0x7d: {  	_ =	shalt  }
0x7e: {  	_ =	shalt  }
0x7f: {  	_ =	shalt  }
0x80: {  	_ =	shalt  }
0x81: {  	_ =	shalt  }
0x82: {  	_ =	shalt  }
0x83: {  	_ =	shalt  }
0x84: {  	_ =	shalt  }
0x85: {  	_ =	shalt  }
0x86: {  	_ =	shalt  }
0x87: {  	_ =	shalt  }
.Lfunc_end0:
.L_simem_size_0:
called_computation.1_lowered:
.L_overlay_start_0:
0x88: {  	s2 =	sld [smem:$0x3FD9]  }
0x89: {  	s3 =	sld [smem:$0x3FFE];
	_ =	sdelay $0x1  }
0x8a: {  	s1 =	srdreg.scid  }
0x8b: {  	s0 =	sand.u32 $0x1, s1  }
0x8c: {  	s17 =	sshll.u32 s0, $0xA;
	s2 =	sadd.s32 s3, s2  }
0x8d: {  	s2 =	sadd.s32 s2, s17  }
0x8e: {  	[smem:$0x3FC0] =	sst s2  }
0x8f: {  	_ = 	snop  }
0x90: {  	s2 =	sld [smem:$0x3FD0];
	(tm) =	ssettm $0x1  }
0x91: {  	s18 =	sld [smem:$0x3FFB];
	_ =	sdelay $0x3  }
0x92: {  	_ =	strace s18  }
0x93: {  	s3 =	sld [smem:$0x3FFC];
	_ =	sdelay $0x3  }
0x94: {  	_ =	strace s3  }
0x95: {  	s3 =	sld [smem:$0x3FFD];
	_ =	sdelay $0x3  }
0x96: {  	_ =	strace s3  }
0x97: {  	_ =	strace $0x8FFFFFFF  }
0x98: {  	s19 =	sld [smem:$0x3FDB];
	_ =	sdelay $0x1  }
0x99: {  	s4 =	simm.s32 $_scs_section_size  }
0x9a: {  	s5 =	simm.s32 $_size__tile_overlayer_lowered;
	s6 =	simm.s32 $_tile_overlayer_lowered  }
0x9b: {  	s22 =	simm.s32 $0x1BFF;
	s21 =	sshll.u32 s6, $0x1;
	s3 =	sadd.s32 s4, s19  }
0x9c: {  	s7 =	simm.s32 $0x0;
	s20 =	sshll.u32 s5, $0x1;
	s5 =	sadd.s32 s21, s3  }
0x9d: {  	[timem:s7], [sflag:s22] =	dma.local [hbm:s5], s20  }
0x9e: {  	_ =	swait.ge [sflag:s22], s20  }
0x9f: {  	s4 =	ssub.s32 $0x0, s20;
	[sflag:s22] =	ssyncset.done $0x0  }
0xa0: {  	[sflag:s22] =	ssyncadd.s32 s4;
	_ =	sdelay $0x1  }
0xa1: {  	s23 =	simm.s32 $0x1B8B  }
0xa2: {  	_ =	swait.ge [sflag:s23], $0x1  }
0xa3: {  	[sflag:s23] =	ssyncset.done $0x0  }
0xa4: {  	s25 =	simm.s32 $0x1B8E;
	s24 =	sld [smem:$0x3FFE];
	[sflag:s23] =	ssyncadd.s32 $0xFFFFFFFF  }
0xa5: {  	s26 =	simm.s32 $execute0_lowered;
	[smem:$0x3FD2] =	sst s25  }
0xa6: {  	s5 =	sshll.u32 s26, $0x1;
	_ =	strace $0x80000049;
	[dreg:$0x1] =	wrdreg $0xFFFFFFFF  }
0xa7: {  	s28 =	simm.s32 $_size_execute0_lowered;
	s3 =	sadd.s32 s3, s5;
	[dreg:$0x0] =	wrdreg $0x0  }
0xa8: {  	s5 =	sshll.u32 s28, $0x1;
	[dreg:$0x2] =	wrdreg s3  }
0xa9: {  	[dreg:$0x3] =	wrdreg s5  }
0xaa: {  	[dreg:$0x4] =	wrdreg $0xC0  }
0xab: {  	_ =	task [dreg:s7], $0x5FFFF  }
0xac: {  	[dreg:$0x1] =	wrdreg $0xFFFFFFFF  }
0xad: {  	[dreg:$0x0] =	wrdreg $0x60  }
0xae: {  	[dreg:$0x2] =	wrdreg s24  }
0xaf: {  	[dreg:$0x3] =	wrdreg s2  }
0xb0: {  	[dreg:$0x4] =	wrdreg $0x67000  }
0xb1: {  	[dreg:$0x5] =	wrdreg $0x9  }
0xb2: {  	_ =	task.clear_ibuf [dreg:s7], $0x6FFFF;
	_ =	strace $0x90000049  }
0xb3: {  	s29 =	simm.s32 $0x9;
	_ =	strace $0x8000004B  }
0xb4: {  	_ =	swait.ge [sflag:s29], $0x1  }
0xb5: {  	[sflag:s29] =	ssyncadd.s32 $0xFFFFFFFF  }
0xb6: {  	_ =	strace $0x9000004B  }
0xb7: {  	_ =	sfence  }
0xb8: {  	s30 =	sld [smem:$0x0];
	_ =	sdelay $0x2  }
0xb9: {  	s31 =	sshll.u32 s1, $0xD;
	s1 =	sshrl.u32 s1, $0x2  }
0xba: {  	s3 =	sand.u32 $0x4000, s31;
	s1 =	sadd.s32 s1, s30  }
0xbb: {  	s0 =	sor.u32 s3, s0;
	s1 =	sshll.u32 s1, $0x11  }
0xbc: {  	s0 =	sor.u32 s1, s0  }
0xbd: {  	s0 =	sadd.s32 $0x8F2B, s0  }
0xbe: {  	[sflag:s0] =	ssyncadd.remote.s32 $0x1  }
0xbf: {  	_ =	sfence.sel $0xFFFF  }
0xc0: {  	[dreg:$0x0] =	wrdreg $0xFFFFFFFF;
	(pc) =	sbr.abs _section_cstart, $3  }
0xc1: {  	[dreg:$0x1] =	wrdreg $0xFFFFFFFF  }
0xc2: {  	_ =	task.clear_ibuf [dreg:s7], $0x2FFFF;
	_ =	strace $0x9FFFFFFF  }
0xc3: {  	(tm) =	ssettm $0x7FFFFFFF  }
tec
execute0_lowered:
.L_overlay_start_1:
0x0: {  	(tag) =	ssettag $0x1  }
0x1: {  	s6 =	rddreg [dreg:$0x0]  }
0x2: {  	s7 =	rddreg [dreg:$0x1]  }
0x3: {  	s2 =	rddreg [dreg:$0x2]  }
0x4: {  	s0 =	rddreg [dreg:$0x3];
	s3 =	srdreg.scid  }
0x5: {  	s1 =	stileid.u32;
	s14 =	simm.s32 $0x80;
	s15 =	simm.s32 $0x4F00  }
0x6: {  	s16 =	simm.s32 $0x1;
	s17 =	simm.s32 $0x0;
	s5 =	sand.u32 $0x1, s3  }
0x7: {  	s4 =	sshll.u32 s1, $0x1;
	s8 =	smul.u32 $0x7680, s1;
	s3 =	simm.s32 $0x0  }
0x8: {  	s31 =	sshll.u32 s1, $0x6;
	s4 =	sor.u32 s5, s4;
	s9 =	smul.u32 $0x76800, s5  }
0x9: {  	[smem:$0x7FF] =	sst s3;
	s12 =	ssub.s32 $0x2, s5;
	s5 =	sadd.s32 $0x10400, s6  }
0xa: {  	s10 =	smul.u32 $0x4F0, s4;
	_ =	strace $0x8000004A;
	s4 =	sadd.s32 $0x1800, s6  }
0xb: {  	s30 =	sshrl.u32 s12, $0x1;
	s13 =	sadd.s32 s8, s2;
	s9 =	sadd.s32 s8, s9  }
0xc: {  	s12 =	ssub.s32 s12, s30;
	s11 =	sadd.s32 s10, s6;
	s9 =	sshrl.u32 s9, $0x3  }
0xd: {  	s7 =	sadd.s32 s7, s10;
	s10 =	smax.u32 s12, $0x1;
	s12 =	simm.s32 $0x2  }
0xe: {  	s9 =	sadd.s32 s9, s6;
	s6 =	sor.u32 $0x1C02, s31;
	s8 =	sadd.s32 $0x74600, s11  }
0xf: {  	s11 =	sshrl.u32 s13, $0x3;
	s13 =	simm.s32 $0x2780;
	s9 =	sadd.s32 $0x11400, s9  }
.LBB2_1:
0x10: {  	[spmem:s11], [sflag:s6] =	dma.local [hbm:s5], $0xED0  }
0x11: {  	_ =	swait.ge [sflag:s12], $0xED0  }
0x12: {  	[sflag:s12] =	ssyncset.done $0x0  }
0x13: {  	[sflag:s12] =	ssyncadd.s32 $0xFFFFF130  }
0x14: {  	[tilespmem:s3], [sflag:$0x2] =	stream.linear.gather [hbm4b:s7+s3], $0x2780, $0x38;
	[tilespmem:$0xDD80] =	vst v63  }
0x15: {  	_ =	swait.ge [sflag:s12], $0x2780  }
0x16: {  	[sflag:s12] =	ssyncset.done $0x0  }
0x17: {  	[sflag:s12] =	ssyncadd.s32 $0xFFFFD880  }
0x18: {  	[tilespmem:s13], [sflag:$0x2] =	stream.linear.gather [hbm4b:s8+s3], $0x2780, $0x38;
	[tilespmem:$0xDD80] =	vst v63  }
0x19: {  	_ =	swait.ge [sflag:s12], $0x2780  }
0x1a: {  	[sflag:s12] =	ssyncset.done $0x0  }
0x1b: {  	[sflag:s12] =	ssyncadd.s32 $0xFFFFD880  }
0x1c: {  	s18 =	simm.s32 $0x0;
	[bflag:$0x0] =	sbarrier.arrive $0xFFFF  }
0x1d: {  	[tilespmem:s15], [sflag:$0x1] =	stream.indirect.gather [hbm4b:s4+s14], $0x30, s18, s14, $0xb8;
	[tilespmem:$0xDD80] =	vst v63  }
0x1e: {  	_ =	swait.ge [sflag:s16], $0x1800  }
0x1f: {  	[sflag:s16] =	ssyncset.done $0x0  }
0x20: {  	s31 =	simm.s32 $0x2780;
	[sflag:s16] =	ssyncadd.s32 $0xFFFFE800  }
0x21: {  	[spmem:s2] =	stream.indirect.scatter.add.f32 [tilespmem:s15], [sflag:$0x2], $0x30, s31, s14, $0xb8;
	[tilespmem:$0xDD80] =	vst v63  }
0x22: {  	_ =	swait.ge [sflag:s12], $0x1800  }
0x23: {  	s19 =	simm.s32 $0x400;
	s18 =	simm.s32 $0x200;
	[sflag:s12] =	ssyncset.done $0x0  }
.LBB2_2:
0x24: {  	s20 =	sshra.s32 s18, $0x2  }
0x25: {  	[sflag:s12] =	ssyncadd.s32 $0xFFFFE800;
	s18 =	smov.u32 s19;
	s21 =	sadd.s32 $0x200, s19  }
0x26: {  	[tilespmem:s15], [sflag:$0x1] =	stream.indirect.gather [hbm4b:s4+s14], $0x30, s20, s14, $0xb8;
	[tilespmem:$0xDD80] =	vst v63  }
0x27: {  	p0 =	sne.s32 s19, $0x9C00;
	_ =	swait.ge [sflag:s16], $0x1800  }
.Ltmp0:
0x28: {  	[sflag:s16] =	ssyncset.done $0x0;
	(pc) =	sbr.rel @p0 .LBB2_2-.Ltmp0, $4  }
0x29: {  	s19 =	sadd.s32 $0x2780, s20;
	[sflag:s16] =	ssyncadd.s32 $0xFFFFE800  }
0x2a: {  	[spmem:s2] =	stream.indirect.scatter.add.f32 [tilespmem:s15], [sflag:$0x2], $0x30, s19, s14, $0xb8;
	[tilespmem:$0xDD80] =	vst v63  }
0x2b: {  	_ =	swait.ge [sflag:s12], $0x1800  }
0x2c: {  	s19 =	smov.u32 s21;
	[sflag:s12] =	ssyncset.done $0x0  }
0x2d: {  	s18 =	sshra.s32 s18, $0x2;
	[sflag:s12] =	ssyncadd.s32 $0xFFFFE800  }
0x2e: {  	[tilespmem:s15], [sflag:$0x1] =	stream.indirect.gather [hbm4b:s4+s14], $0x30, s18, s14, $0xb8;
	[tilespmem:$0xDD80] =	vst v63  }
0x2f: {  	_ =	swait.ge [sflag:s16], $0x1800  }
0x30: {  	[sflag:s16] =	ssyncset.done $0x0  }
0x31: {  	s18 =	sadd.s32 $0x2780, s18;
	[sflag:s16] =	ssyncadd.s32 $0xFFFFE800  }
0x32: {  	[spmem:s2] =	stream.indirect.scatter.add.f32 [tilespmem:s15], [sflag:$0x2], $0x30, s18, s14, $0xb8;
	[tilespmem:$0xDD80] =	vst v63  }
0x33: {  	_ =	swait.ge [sflag:s12], $0x1800  }
0x34: {  	s17 =	sadd.s32 $0x1, s17;
	[sflag:s12] =	ssyncset.done $0x0  }
0x35: {  	p0 =	sne.s32 s17, s10;
	[sflag:s12] =	ssyncadd.s32 $0xFFFFE800  }
.Ltmp1:
0x36: {  	[bflag:$0x0] =	sbarrier.arrive $0xFFFF;
	(pc) =	sbr.rel @p0 .LBB2_1-.Ltmp1, $4  }
0x37: {  	[hbm:s9], [sflag:s6] =	dma.local [spmem:s11], $0xED0  }
0x38: {  	_ =	swait.ge [sflag:s12], $0xED0  }
0x39: {  	[sflag:s12] =	ssyncset.done $0x0  }
0x3a: {  	[sflag:s12] =	ssyncadd.s32 $0xFFFFF130  }
0x3b: {  	_ =	sfence.sel $0x180000  }
0x3c: {  	[bflag:$0x0] =	sbarrier.arrive $0xFFFF  }
0x3d: {  	p0 =	sne.s32 s1, $0x0;
	_ =	strace $0x9000004A  }
0x3e: {  	s0 =	sadd.s32 @!p0 $0x100000, s0;
	[bflag:$0x2] =	sbarrier.arrive $0xFFFF  }
0x3f: {  	[sflag:s0] =	ssyncadd.tile.s32 @!p0 $0x1;
	_ =	shalt  }
.Lfunc_end2:
_tile_overlayer_lowered:
.L_overlay_start_2:
0x40: {  	(tag) =	ssettag $0x2  }
0x41: {  	s0 =	rddreg [dreg:$0x0];
	s2 =	stileid.u32  }
0x42: {  	s1 =	rddreg [dreg:$0x1];
	p0 =	sne.s32 s2, $0x0  }
0x43: {  	s3 =	rddreg [dreg:$0x2];
	[bflag:$0x3] =	sbarrier.arrive $0xFFFF;
	s2 =	simm.s32 @!p0 $0x1C02  }
0x44: {  	[timem:s3], [sflag:s2] =	dma.local @!p0 [hbm:s0], s1  }
0x45: {  	s0 =	simm.s32 @!p0 $0x2  }
0x46: {  	_ =	swait.ge @!p0 [sflag:s0], s1  }
0x47: {  	s1 =	ssub.s32 @!p0 $0x0, s1;
	[sflag:s0] =	ssyncset.done @!p0 $0x0  }
0x48: {  	[sflag:s0] =	ssyncadd.s32 @!p0 s1  }
0x49: {  	[bflag:$0x3] =	sbarrier.arrive $0xFFFF  }
0x4a: {  	_ =	shalt  }

</sc_bundles>
